<compile_context>
chip_gen: v7x
topology: tpu7x:2x2x1
jax: 0.10.2.dev20260603
libtpu: 0.0.44.dev20260713+nightly
codegen_flags: <defaults>
</compile_context>

<pallas_src>
import functools

import jax
import jax.numpy as jnp
from jax import lax
from jax.experimental import pallas as pl
from jax.experimental.pallas import tpu as pltpu
from jax.experimental.pallas import tpu_sc as plsc

_EPS = 1e-12
_LN_BLK = 512


def _sc_info():
    try:
        info = plsc.get_sparse_core_info()
        return info.num_cores, info.num_subcores
    except Exception:
        return 2, 16


@functools.lru_cache(maxsize=None)
def _make_gather(vocab, dim, n_rows):
    num_cores, num_subcores = _sc_info()
    nw = num_cores * num_subcores
    rows_per_w = n_rows // nw
    mesh = plsc.VectorSubcoreMesh(core_axis_name="c", subcore_axis_name="s")

    @functools.partial(
        pl.kernel,
        mesh=mesh,
        compiler_params=pltpu.CompilerParams(needs_layout_passes=False),
        out_type=jax.ShapeDtypeStruct((n_rows, dim), jnp.float32),
        scratch_types=[
            pltpu.VMEM((rows_per_w,), jnp.int32),
            pltpu.VMEM((rows_per_w, dim), jnp.float32),
            pltpu.SemaphoreType.DMA,
        ],
    )
    def gather_k(table_hbm, idx_hbm, out_hbm, idx_v, rows_v, sem):
        wid = lax.axis_index("s") * num_cores + lax.axis_index("c")
        base = wid * rows_per_w
        pltpu.sync_copy(idx_hbm.at[pl.ds(base, rows_per_w)], idx_v)
        iota = lax.iota(jnp.int32, 16)

        def issue(w, _):
            g = idx_v[pl.ds(w * 16, 16)]
            for j in range(16):
                row = jnp.max(jnp.where(iota == j, g, 0))
                pltpu.async_copy(
                    table_hbm.at[pl.ds(row, 1)],
                    rows_v.at[pl.ds(w * 16 + j, 1)],
                    sem,
                )
            return 0

        lax.fori_loop(0, rows_per_w // 16, issue, 0)
        pltpu.make_async_copy(
            table_hbm.at[pl.ds(0, rows_per_w)], rows_v, sem
        ).wait()
        pltpu.sync_copy(rows_v, out_hbm.at[pl.ds(base, rows_per_w)])

    return gather_k


def _ln_body(seq, words_ref, chars_ref, pos_ref, type_ref, gamma_ref,
             beta_ref, out_ref):
    i = pl.program_id(0)
    s0 = (i % (seq // _LN_BLK)) * _LN_BLK
    w = words_ref[...]
    c = chars_ref[...]
    x = jnp.concatenate([w, c], axis=-1)
    x = x + pos_ref[pl.ds(s0, _LN_BLK), :] + type_ref[0:1, :]
    mean = jnp.mean(x, axis=-1, keepdims=True)
    xc = x - mean
    var = jnp.mean(xc * xc, axis=-1, keepdims=True)
    y = xc * lax.rsqrt(var + _EPS)
    out_ref[...] = y * gamma_ref[...] + beta_ref[...]


def kernel(input_ids, chars_embeds, word_table, pos_table, type_table,
           ln_gamma, ln_beta):
    batch, seq = input_ids.shape
    vocab, word_dim = word_table.shape
    emb_dim = pos_table.shape[1]
    char_dim = chars_embeds.shape[-1]
    n_rows = batch * seq

    ids = input_ids.reshape(n_rows).astype(jnp.int32)
    words = _make_gather(vocab, word_dim, n_rows)(word_table, ids)

    chars2d = chars_embeds.reshape(n_rows, char_dim)
    out = pl.pallas_call(
        functools.partial(_ln_body, seq),
        grid=(n_rows // _LN_BLK,),
        in_specs=[
            pl.BlockSpec((_LN_BLK, word_dim), lambda i: (i, 0)),
            pl.BlockSpec((_LN_BLK, char_dim), lambda i: (i, 0)),
            pl.BlockSpec((seq, emb_dim), lambda i: (0, 0)),
            pl.BlockSpec(type_table.shape, lambda i: (0, 0)),
            pl.BlockSpec((1, emb_dim), lambda i: (0, 0)),
            pl.BlockSpec((1, emb_dim), lambda i: (0, 0)),
        ],
        out_specs=pl.BlockSpec((_LN_BLK, emb_dim), lambda i: (i, 0)),
        out_shape=jax.ShapeDtypeStruct((n_rows, emb_dim), jnp.float32),
    )(words, chars2d, pos_table, type_table,
      ln_gamma.reshape(1, emb_dim), ln_beta.reshape(1, emb_dim))
    return out.reshape(batch, seq, emb_dim)

# --- scband reference (transcript-rebuilt; emitter-appended) ---
"""Pipeline reference for scband-albert-word-embeddings-73151882986161 (READ-ONLY COPY).

The authoritative reference and input builder live on the scoring server;
editing this copy changes nothing except your own understanding.
"""

import jax, jax.numpy as jnp
import numpy as np

VOCAB = 100000
WORD_DIM = 96
CHAR_DIM = 32
EMB_DIM = 128
MAX_POS = 4096
TYPE_VOCAB = 2
EPS = 1e-12
B, S = 4, 2048


def setup_inputs(seed: int = 0) -> dict:
    key = jax.random.key(seed)
    k1, k2, k3, k4, k5 = jax.random.split(key, 5)
    input_ids = jax.random.randint(k1, (B, S), 0, VOCAB, dtype=jnp.int64 if jax.config.read('jax_enable_x64') else jnp.int32)
    chars_embeds = jax.random.normal(k2, (B, S, CHAR_DIM), dtype=jnp.float32)
    word_table = jax.random.normal(k3, (VOCAB, WORD_DIM), dtype=jnp.float32) * 0.02
    pos_table = jax.random.normal(k4, (MAX_POS, EMB_DIM), dtype=jnp.float32) * 0.02
    type_table = jax.random.normal(k5, (TYPE_VOCAB, EMB_DIM), dtype=jnp.float32) * 0.02
    ln_gamma = jnp.ones((EMB_DIM,), dtype=jnp.float32)
    ln_beta = jnp.zeros((EMB_DIM,), dtype=jnp.float32)
    return {
        'input_ids': input_ids,
        'chars_embeds': chars_embeds,
        'word_table': word_table,
        'pos_table': pos_table,
        'type_table': type_table,
        'ln_gamma': ln_gamma,
        'ln_beta': ln_beta,
    }


def reference(input_ids, chars_embeds, word_table, pos_table, type_table, ln_gamma, ln_beta):
    batch_size, seq_length = input_ids.shape
    # position_ids = buffered arange, sliced to seq_length (past_key_values_length=0)
    position_ids = jnp.arange(seq_length)[None, :]
    # token_type_ids defaults to zeros (buffered zeros expanded)
    token_type_ids = jnp.zeros((batch_size, seq_length), dtype=jnp.int32)
    # word embedding lookup (gather)
    words_embeds = jnp.take(word_table, input_ids, axis=0)
    # concat word + char embeddings
    inputs_embeds = jnp.concatenate([words_embeds, chars_embeds], axis=-1)
    # token type embedding lookup
    token_type_embeddings = jnp.take(type_table, token_type_ids, axis=0)
    embeddings = inputs_embeds + token_type_embeddings
    # absolute position embeddings
    position_embeddings = jnp.take(pos_table, position_ids, axis=0)
    embeddings = embeddings + position_embeddings
    # LayerNorm over last dim
    mean = jnp.mean(embeddings, axis=-1, keepdims=True)
    var = jnp.mean(jnp.square(embeddings - mean), axis=-1, keepdims=True)
    embeddings = (embeddings - mean) / jnp.sqrt(var + EPS)
    embeddings = embeddings * ln_gamma + ln_beta
    # dropout with p=0.0 / eval mode -> identity
    return embeddings

if __name__ == "__main__":
    import jax
    _d = setup_inputs()
    print(jax.jit(kernel)(*tuple(_d.values())))

</pallas_src>

<mosaic_0001>
#map = affine_map<(d0, d1) -> (0, 0)>
#map1 = affine_map<(d0, d1) -> (0)>
module attributes {stable_mosaic.version = 14 : i64} {
  func.func @gather_k(%arg0: i32, %arg1: i32, %arg2: memref<100000x96xf32, #tpu.memory_space<hbm>>, %arg3: memref<8192xi32, #tpu.memory_space<hbm>>, %arg4: memref<8192x96xf32, #tpu.memory_space<hbm>>, %arg5: memref<256xi32, #tpu.memory_space<vmem>>, %arg6: memref<256x96xf32, #tpu.memory_space<vmem>>, %arg7: memref<!tpu.dma_semaphore, #tpu.memory_space<semaphore_mem>>) attributes {dimension_semantics = [#tpu.dimension_semantics<core_parallel>, #tpu.dimension_semantics<subcore_parallel>], iteration_bounds = array<i64: 2, 16>, scalar_prefetch = 0 : i64, scratch_operands = 3 : i64, tpu.core_type = #tpu.core_type<sc_vector_subcore>, window_params = [{transform_indices = #map}, {transform_indices = #map1}, {transform_indices = #map}]} {
    %mul3A = arith.constant 2 : i32
    %mul3A_0 = arith.muli %arg1, %mul3A : i32
    %add3A = arith.addi %mul3A_0, %arg0 : i32
    %mul3A_1 = arith.constant 256 : i32
    %mul3A_2 = arith.muli %add3A, %mul3A_1 : i32
    "tpu.region"() ({
      %run_scoped3A = tpu.sem_alloc : memref<!tpu.dma_semaphore, #tpu.memory_space<semaphore_mem>>
      %dma_start3A = tpu.memref_slice %arg3[%mul3A_2] : memref<8192xi32, #tpu.memory_space<hbm>> -> memref<256xi32, #tpu.memory_space<hbm>>
      %dma_start3A_14 = tpu.memref_slice %arg3[%mul3A_2] : memref<8192xi32, #tpu.memory_space<hbm>> -> memref<256xi32, #tpu.memory_space<hbm>>
      tpu.enqueue_dma source(%dma_start3A_14 : memref<256xi32, #tpu.memory_space<hbm>>) target(%arg5 : memref<256xi32, #tpu.memory_space<vmem>>) target_semaphore(%run_scoped3A : memref<!tpu.dma_semaphore, #tpu.memory_space<semaphore_mem>>)
      %dma_wait3A_15 = tpu.memref_slice %arg3[%mul3A_2] : memref<8192xi32, #tpu.memory_space<hbm>> -> memref<256xi32, #tpu.memory_space<hbm>>
      %dma_wait3A_16 = tpu.memref_slice %arg3[%mul3A_2] : memref<8192xi32, #tpu.memory_space<hbm>> -> memref<256xi32, #tpu.memory_space<hbm>>
      tpu.wait_dma2 semaphore(%run_scoped3A : memref<!tpu.dma_semaphore, #tpu.memory_space<semaphore_mem>>) src(%dma_wait3A_16 : memref<256xi32, #tpu.memory_space<hbm>>) dst(%arg5 : memref<256xi32, #tpu.memory_space<vmem>>)
      tpu.yield
    }) : () -> ()
    %iota3A = tpu.iota {dimensions = array<i32: 0>} : vector<16xi32>
    %scan3A = arith.constant 0 : i32
    %scan3A_3 = arith.constant 0 : i32
    %scan3A_4 = arith.constant 16 : i32
    %scan3A_5 = arith.addi %scan3A_3, %scan3A_4 : i32
    %scan3A_6 = arith.constant 1 : i32
    %scan3A_7 = scf.for %scan3A_14 = %scan3A_3 to %scan3A_5 step %scan3A_6 iter_args(%scan3A_15 = %scan3A) -> (i32)  : i32 {
      %mul3A_16 = arith.constant 16 : i32
      %mul3A_17 = arith.muli %scan3A_14, %mul3A_16 : i32
      %get3A = arith.index_cast %mul3A_17 : i32 to index
      %get3A_18 = tpu.vector_load %arg5[%get3A] {strides = array<i32>} : memref<256xi32, #tpu.memory_space<vmem>>, vector<16xi32>,
      %eq3A = arith.constant 0 : i32
      %eq3A_19 = vector.broadcast %eq3A : i32 to vector<16xi32>
      %eq3A_20 = arith.cmpi eq, %iota3A, %eq3A_19 : vector<16xi32>
      %jit3A = arith.constant 0 : i32
      %broadcast_in_dim3A = vector.broadcast %jit3A : i32 to vector<16xi32>
      %select_n3A = arith.select %eq3A_20, %get3A_18, %broadcast_in_dim3A : vector<16xi1>, vector<16xi32>
      %reduce_max3A = arith.constant true
      %reduce_max3A_21 = vector.broadcast %reduce_max3A : i1 to vector<16xi1>
      %reduce_max3A_22 = arith.constant -2147483648 : i32
      %reduce_max3A_23 = vector.broadcast %reduce_max3A_22 : i32 to vector<16xi32>
      %reduce_max3A_24 = arith.xori %select_n3A, %reduce_max3A_23 : vector<16xi32>
      %reduce_max3A_25 = tpu.scan <max>, %reduce_max3A_24 masked %reduce_max3A_21 : vector<16xi32>, vector<16xi1> -> vector<16xi32>
      %reduce_max3A_26 = arith.xori %reduce_max3A_25, %reduce_max3A_23 : vector<16xi32>
      %reduce_max3A_27 = vector.extract %reduce_max3A_26[15] : i32 from vector<16xi32>
      %mul3A_28 = arith.constant 16 : i32
      %mul3A_29 = arith.muli %scan3A_14, %mul3A_28 : i32
      %add3A_30 = arith.constant 0 : i32
      %add3A_31 = arith.addi %mul3A_29, %add3A_30 : i32
      %dma_start3A = arith.constant 0 : i32
      %dma_start3A_32 = tpu.memref_slice %arg6[%add3A_31, %dma_start3A] : memref<256x96xf32, #tpu.memory_space<vmem>> -> memref<1x96xf32, #tpu.memory_space<vmem>>
      %dma_start3A_33 = arith.constant 0 : i32
      %dma_start3A_34 = tpu.memref_slice %arg2[%reduce_max3A_27, %dma_start3A_33] : memref<100000x96xf32, #tpu.memory_space<hbm>> -> memref<1x96xf32, #tpu.memory_space<hbm>>
      %dma_start3A_35 = arith.constant 0 : i32
      %dma_start3A_36 = tpu.memref_slice %arg6[%add3A_31, %dma_start3A_35] : memref<256x96xf32, #tpu.memory_space<vmem>> -> memref<1x96xf32, #tpu.memory_space<vmem>>
      %dma_start3A_37 = arith.constant 0 : i32
      %dma_start3A_38 = tpu.memref_slice %arg2[%reduce_max3A_27, %dma_start3A_37] : memref<100000x96xf32, #tpu.memory_space<hbm>> -> memref<1x96xf32, #tpu.memory_space<hbm>>
      tpu.enqueue_dma source(%dma_start3A_38 : memref<1x96xf32, #tpu.memory_space<hbm>>) target(%dma_start3A_36 : memref<1x96xf32, #tpu.memory_space<vmem>>) target_semaphore(%arg7 : memref<!tpu.dma_semaphore, #tpu.memory_space<semaphore_mem>>)
      %eq3A_39 = arith.constant 1 : i32
      %eq3A_40 = vector.broadcast %eq3A_39 : i32 to vector<16xi32>
      %eq3A_41 = arith.cmpi eq, %iota3A, %eq3A_40 : vector<16xi32>
      %jit3A_42 = arith.constant 0 : i32
      %broadcast_in_dim3A_43 = vector.broadcast %jit3A_42 : i32 to vector<16xi32>
      %select_n3A_44 = arith.select %eq3A_41, %get3A_18, %broadcast_in_dim3A_43 : vector<16xi1>, vector<16xi32>
      %reduce_max3A_45 = arith.constant true
      %reduce_max3A_46 = vector.broadcast %reduce_max3A_45 : i1 to vector<16xi1>
      %reduce_max3A_47 = arith.constant -2147483648 : i32
      %reduce_max3A_48 = vector.broadcast %reduce_max3A_47 : i32 to vector<16xi32>
      %reduce_max3A_49 = arith.xori %select_n3A_44, %reduce_max3A_48 : vector<16xi32>
      %reduce_max3A_50 = tpu.scan <max>, %reduce_max3A_49 masked %reduce_max3A_46 : vector<16xi32>, vector<16xi1> -> vector<16xi32>
      %reduce_max3A_51 = arith.xori %reduce_max3A_50, %reduce_max3A_48 : vector<16xi32>
      %reduce_max3A_52 = vector.extract %reduce_max3A_51[15] : i32 from vector<16xi32>
      %mul3A_53 = arith.constant 16 : i32
      %mul3A_54 = arith.muli %scan3A_14, %mul3A_53 : i32
      %add3A_55 = arith.constant 1 : i32
      %add3A_56 = arith.addi %mul3A_54, %add3A_55 : i32
      %dma_start3A_57 = arith.constant 0 : i32
      %dma_start3A_58 = tpu.memref_slice %arg6[%add3A_56, %dma_start3A_57] : memref<256x96xf32, #tpu.memory_space<vmem>> -> memref<1x96xf32, #tpu.memory_space<vmem>>
      %dma_start3A_59 = arith.constant 0 : i32
      %dma_start3A_60 = tpu.memref_slice %arg2[%reduce_max3A_52, %dma_start3A_59] : memref<100000x96xf32, #tpu.memory_space<hbm>> -> memref<1x96xf32, #tpu.memory_space<hbm>>
      %dma_start3A_61 = arith.constant 0 : i32
      %dma_start3A_62 = tpu.memref_slice %arg6[%add3A_56, %dma_start3A_61] : memref<256x96xf32, #tpu.memory_space<vmem>> -> memref<1x96xf32, #tpu.memory_space<vmem>>
      %dma_start3A_63 = arith.constant 0 : i32
      %dma_start3A_64 = tpu.memref_slice %arg2[%reduce_max3A_52, %dma_start3A_63] : memref<100000x96xf32, #tpu.memory_space<hbm>> -> memref<1x96xf32, #tpu.memory_space<hbm>>
      tpu.enqueue_dma source(%dma_start3A_64 : memref<1x96xf32, #tpu.memory_space<hbm>>) target(%dma_start3A_62 : memref<1x96xf32, #tpu.memory_space<vmem>>) target_semaphore(%arg7 : memref<!tpu.dma_semaphore, #tpu.memory_space<semaphore_mem>>)
      %eq3A_65 = arith.constant 2 : i32
      %eq3A_66 = vector.broadcast %eq3A_65 : i32 to vector<16xi32>
      %eq3A_67 = arith.cmpi eq, %iota3A, %eq3A_66 : vector<16xi32>
      %jit3A_68 = arith.constant 0 : i32
      %broadcast_in_dim3A_69 = vector.broadcast %jit3A_68 : i32 to vector<16xi32>
      %select_n3A_70 = arith.select %eq3A_67, %get3A_18, %broadcast_in_dim3A_69 : vector<16xi1>, vector<16xi32>
      %reduce_max3A_71 = arith.constant true
      %reduce_max3A_72 = vector.broadcast %reduce_max3A_71 : i1 to vector<16xi1>
      %reduce_max3A_73 = arith.constant -2147483648 : i32
      %reduce_max3A_74 = vector.broadcast %reduce_max3A_73 : i32 to vector<16xi32>
      %reduce_max3A_75 = arith.xori %select_n3A_70, %reduce_max3A_74 : vector<16xi32>
      %reduce_max3A_76 = tpu.scan <max>, %reduce_max3A_75 masked %reduce_max3A_72 : vector<16xi32>, vector<16xi1> -> vector<16xi32>
      %reduce_max3A_77 = arith.xori %reduce_max3A_76, %reduce_max3A_74 : vector<16xi32>
      %reduce_max3A_78 = vector.extract %reduce_max3A_77[15] : i32 from vector<16xi32>
      %mul3A_79 = arith.constant 16 : i32
      %mul3A_80 = arith.muli %scan3A_14, %mul3A_79 : i32
      %add3A_81 = arith.constant 2 : i32
      %add3A_82 = arith.addi %mul3A_80, %add3A_81 : i32
      %dma_start3A_83 = arith.constant 0 : i32
      %dma_start3A_84 = tpu.memref_slice %arg6[%add3A_82, %dma_start3A_83] : memref<256x96xf32, #tpu.memory_space<vmem>> -> memref<1x96xf32, #tpu.memory_space<vmem>>
      %dma_start3A_85 = arith.constant 0 : i32
      %dma_start3A_86 = tpu.memref_slice %arg2[%reduce_max3A_78, %dma_start3A_85] : memref<100000x96xf32, #tpu.memory_space<hbm>> -> memref<1x96xf32, #tpu.memory_space<hbm>>
      %dma_start3A_87 = arith.constant 0 : i32
      %dma_start3A_88 = tpu.memref_slice %arg6[%add3A_82, %dma_start3A_87] : memref<256x96xf32, #tpu.memory_space<vmem>> -> memref<1x96xf32, #tpu.memory_space<vmem>>
      %dma_start3A_89 = arith.constant 0 : i32
      %dma_start3A_90 = tpu.memref_slice %arg2[%reduce_max3A_78, %dma_start3A_89] : memref<100000x96xf32, #tpu.memory_space<hbm>> -> memref<1x96xf32, #tpu.memory_space<hbm>>
      tpu.enqueue_dma source(%dma_start3A_90 : memref<1x96xf32, #tpu.memory_space<hbm>>) target(%dma_start3A_88 : memref<1x96xf32, #tpu.memory_space<vmem>>) target_semaphore(%arg7 : memref<!tpu.dma_semaphore, #tpu.memory_space<semaphore_mem>>)
      %eq3A_91 = arith.constant 3 : i32
      %eq3A_92 = vector.broadcast %eq3A_91 : i32 to vector<16xi32>
      %eq3A_93 = arith.cmpi eq, %iota3A, %eq3A_92 : vector<16xi32>
      %jit3A_94 = arith.constant 0 : i32
      %broadcast_in_dim3A_95 = vector.broadcast %jit3A_94 : i32 to vector<16xi32>
      %select_n3A_96 = arith.select %eq3A_93, %get3A_18, %broadcast_in_dim3A_95 : vector<16xi1>, vector<16xi32>
      %reduce_max3A_97 = arith.constant true
      %reduce_max3A_98 = vector.broadcast %reduce_max3A_97 : i1 to vector<16xi1>
      %reduce_max3A_99 = arith.constant -2147483648 : i32
      %reduce_max3A_100 = vector.broadcast %reduce_max3A_99 : i32 to vector<16xi32>
      %reduce_max3A_101 = arith.xori %select_n3A_96, %reduce_max3A_100 : vector<16xi32>
      %reduce_max3A_102 = tpu.scan <max>, %reduce_max3A_101 masked %reduce_max3A_98 : vector<16xi32>, vector<16xi1> -> vector<16xi32>
      %reduce_max3A_103 = arith.xori %reduce_max3A_102, %reduce_max3A_100 : vector<16xi32>
      %reduce_max3A_104 = vector.extract %reduce_max3A_103[15] : i32 from vector<16xi32>
      %mul3A_105 = arith.constant 16 : i32
      %mul3A_106 = arith.muli %scan3A_14, %mul3A_105 : i32
      %add3A_107 = arith.constant 3 : i32
      %add3A_108 = arith.addi %mul3A_106, %add3A_107 : i32
      %dma_start3A_109 = arith.constant 0 : i32
      %dma_start3A_110 = tpu.memref_slice %arg6[%add3A_108, %dma_start3A_109] : memref<256x96xf32, #tpu.memory_space<vmem>> -> memref<1x96xf32, #tpu.memory_space<vmem>>
      %dma_start3A_111 = arith.constant 0 : i32
      %dma_start3A_112 = tpu.memref_slice %arg2[%reduce_max3A_104, %dma_start3A_111] : memref<100000x96xf32, #tpu.memory_space<hbm>> -> memref<1x96xf32, #tpu.memory_space<hbm>>
      %dma_start3A_113 = arith.constant 0 : i32
      %dma_start3A_114 = tpu.memref_slice %arg6[%add3A_108, %dma_start3A_113] : memref<256x96xf32, #tpu.memory_space<vmem>> -> memref<1x96xf32, #tpu.memory_space<vmem>>
      %dma_start3A_115 = arith.constant 0 : i32
      %dma_start3A_116 = tpu.memref_slice %arg2[%reduce_max3A_104, %dma_start3A_115] : memref<100000x96xf32, #tpu.memory_space<hbm>> -> memref<1x96xf32, #tpu.memory_space<hbm>>
      tpu.enqueue_dma source(%dma_start3A_116 : memref<1x96xf32, #tpu.memory_space<hbm>>) target(%dma_start3A_114 : memref<1x96xf32, #tpu.memory_space<vmem>>) target_semaphore(%arg7 : memref<!tpu.dma_semaphore, #tpu.memory_space<semaphore_mem>>)
      %eq3A_117 = arith.constant 4 : i32
      %eq3A_118 = vector.broadcast %eq3A_117 : i32 to vector<16xi32>
      %eq3A_119 = arith.cmpi eq, %iota3A, %eq3A_118 : vector<16xi32>
      %jit3A_120 = arith.constant 0 : i32
      %broadcast_in_dim3A_121 = vector.broadcast %jit3A_120 : i32 to vector<16xi32>
      %select_n3A_122 = arith.select %eq3A_119, %get3A_18, %broadcast_in_dim3A_121 : vector<16xi1>, vector<16xi32>
      %reduce_max3A_123 = arith.constant true
      %reduce_max3A_124 = vector.broadcast %reduce_max3A_123 : i1 to vector<16xi1>
      %reduce_max3A_125 = arith.constant -2147483648 : i32
      %reduce_max3A_126 = vector.broadcast %reduce_max3A_125 : i32 to vector<16xi32>
      %reduce_max3A_127 = arith.xori %select_n3A_122, %reduce_max3A_126 : vector<16xi32>
      %reduce_max3A_128 = tpu.scan <max>, %reduce_max3A_127 masked %reduce_max3A_124 : vector<16xi32>, vector<16xi1> -> vector<16xi32>
      %reduce_max3A_129 = arith.xori %reduce_max3A_128, %reduce_max3A_126 : vector<16xi32>
      %reduce_max3A_130 = vector.extract %reduce_max3A_129[15] : i32 from vector<16xi32>
      %mul3A_131 = arith.constant 16 : i32
      %mul3A_132 = arith.muli %scan3A_14, %mul3A_131 : i32
      %add3A_133 = arith.constant 4 : i32
      %add3A_134 = arith.addi %mul3A_132, %add3A_133 : i32
      %dma_start3A_135 = arith.constant 0 : i32
      %dma_start3A_136 = tpu.memref_slice %arg6[%add3A_134, %dma_start3A_135] : memref<256x96xf32, #tpu.memory_space<vmem>> -> memref<1x96xf32, #tpu.memory_space<vmem>>
      %dma_start3A_137 = arith.constant 0 : i32
      %dma_start3A_138 = tpu.memref_slice %arg2[%reduce_max3A_130, %dma_start3A_137] : memref<100000x96xf32, #tpu.memory_space<hbm>> -> memref<1x96xf32, #tpu.memory_space<hbm>>
      %dma_start3A_139 = arith.constant 0 : i32
      %dma_start3A_140 = tpu.memref_slice %arg6[%add3A_134, %dma_start3A_139] : memref<256x96xf32, #tpu.memory_space<vmem>> -> memref<1x96xf32, #tpu.memory_space<vmem>>
      %dma_start3A_141 = arith.constant 0 : i32
      %dma_start3A_142 = tpu.memref_slice %arg2[%reduce_max3A_130, %dma_start3A_141] : memref<100000x96xf32, #tpu.memory_space<hbm>> -> memref<1x96xf32, #tpu.memory_space<hbm>>
      tpu.enqueue_dma source(%dma_start3A_142 : memref<1x96xf32, #tpu.memory_space<hbm>>) target(%dma_start3A_140 : memref<1x96xf32, #tpu.memory_space<vmem>>) target_semaphore(%arg7 : memref<!tpu.dma_semaphore, #tpu.memory_space<semaphore_mem>>)
      %eq3A_143 = arith.constant 5 : i32
      %eq3A_144 = vector.broadcast %eq3A_143 : i32 to vector<16xi32>
      %eq3A_145 = arith.cmpi eq, %iota3A, %eq3A_144 : vector<16xi32>
      %jit3A_146 = arith.constant 0 : i32
      %broadcast_in_dim3A_147 = vector.broadcast %jit3A_146 : i32 to vector<16xi32>
      %select_n3A_148 = arith.select %eq3A_145, %get3A_18, %broadcast_in_dim3A_147 : vector<16xi1>, vector<16xi32>
      %reduce_max3A_149 = arith.constant true
      %reduce_max3A_150 = vector.broadcast %reduce_max3A_149 : i1 to vector<16xi1>
      %reduce_max3A_151 = arith.constant -2147483648 : i32
      %reduce_max3A_152 = vector.broadcast %reduce_max3A_151 : i32 to vector<16xi32>
      %reduce_max3A_153 = arith.xori %select_n3A_148, %reduce_max3A_152 : vector<16xi32>
      %reduce_max3A_154 = tpu.scan <max>, %reduce_max3A_153 masked %reduce_max3A_150 : vector<16xi32>, vector<16xi1> -> vector<16xi32>
      %reduce_max3A_155 = arith.xori %reduce_max3A_154, %reduce_max3A_152 : vector<16xi32>
      %reduce_max3A_156 = vector.extract %reduce_max3A_155[15] : i32 from vector<16xi32>
      %mul3A_157 = arith.constant 16 : i32
      %mul3A_158 = arith.muli %scan3A_14, %mul3A_157 : i32
      %add3A_159 = arith.constant 5 : i32
      %add3A_160 = arith.addi %mul3A_158, %add3A_159 : i32
      %dma_start3A_161 = arith.constant 0 : i32
      %dma_start3A_162 = tpu.memref_slice %arg6[%add3A_160, %dma_start3A_161] : memref<256x96xf32, #tpu.memory_space<vmem>> -> memref<1x96xf32, #tpu.memory_space<vmem>>
      %dma_start3A_163 = arith.constant 0 : i32
      %dma_start3A_164 = tpu.memref_slice %arg2[%reduce_max3A_156, %dma_start3A_163] : memref<100000x96xf32, #tpu.memory_space<hbm>> -> memref<1x96xf32, #tpu.memory_space<hbm>>
      %dma_start3A_165 = arith.constant 0 : i32
      %dma_start3A_166 = tpu.memref_slice %arg6[%add3A_160, %dma_start3A_165] : memref<256x96xf32, #tpu.memory_space<vmem>> -> memref<1x96xf32, #tpu.memory_space<vmem>>
      %dma_start3A_167 = arith.constant 0 : i32
      %dma_start3A_168 = tpu.memref_slice %arg2[%reduce_max3A_156, %dma_start3A_167] : memref<100000x96xf32, #tpu.memory_space<hbm>> -> memref<1x96xf32, #tpu.memory_space<hbm>>
      tpu.enqueue_dma source(%dma_start3A_168 : memref<1x96xf32, #tpu.memory_space<hbm>>) target(%dma_start3A_166 : memref<1x96xf32, #tpu.memory_space<vmem>>) target_semaphore(%arg7 : memref<!tpu.dma_semaphore, #tpu.memory_space<semaphore_mem>>)
      %eq3A_169 = arith.constant 6 : i32
      %eq3A_170 = vector.broadcast %eq3A_169 : i32 to vector<16xi32>
      %eq3A_171 = arith.cmpi eq, %iota3A, %eq3A_170 : vector<16xi32>
      %jit3A_172 = arith.constant 0 : i32
      %broadcast_in_dim3A_173 = vector.broadcast %jit3A_172 : i32 to vector<16xi32>
      %select_n3A_174 = arith.select %eq3A_171, %get3A_18, %broadcast_in_dim3A_173 : vector<16xi1>, vector<16xi32>
      %reduce_max3A_175 = arith.constant true
      %reduce_max3A_176 = vector.broadcast %reduce_max3A_175 : i1 to vector<16xi1>
      %reduce_max3A_177 = arith.constant -2147483648 : i32
      %reduce_max3A_178 = vector.broadcast %reduce_max3A_177 : i32 to vector<16xi32>
      %reduce_max3A_179 = arith.xori %select_n3A_174, %reduce_max3A_178 : vector<16xi32>
      %reduce_max3A_180 = tpu.scan <max>, %reduce_max3A_179 masked %reduce_max3A_176 : vector<16xi32>, vector<16xi1> -> vector<16xi32>
      %reduce_max3A_181 = arith.xori %reduce_max3A_180, %reduce_max3A_178 : vector<16xi32>
      %reduce_max3A_182 = vector.extract %reduce_max3A_181[15] : i32 from vector<16xi32>
      %mul3A_183 = arith.constant 16 : i32
      %mul3A_184 = arith.muli %scan3A_14, %mul3A_183 : i32
      %add3A_185 = arith.constant 6 : i32
      %add3A_186 = arith.addi %mul3A_184, %add3A_185 : i32
      %dma_start3A_187 = arith.constant 0 : i32
      %dma_start3A_188 = tpu.memref_slice %arg6[%add3A_186, %dma_start3A_187] : memref<256x96xf32, #tpu.memory_space<vmem>> -> memref<1x96xf32, #tpu.memory_space<vmem>>
      %dma_start3A_189 = arith.constant 0 : i32
      %dma_start3A_190 = tpu.memref_slice %arg2[%reduce_max3A_182, %dma_start3A_189] : memref<100000x96xf32, #tpu.memory_space<hbm>> -> memref<1x96xf32, #tpu.memory_space<hbm>>
      %dma_start3A_191 = arith.constant 0 : i32
      %dma_start3A_192 = tpu.memref_slice %arg6[%add3A_186, %dma_start3A_191] : memref<256x96xf32, #tpu.memory_space<vmem>> -> memref<1x96xf32, #tpu.memory_space<vmem>>
      %dma_start3A_193 = arith.constant 0 : i32
      %dma_start3A_194 = tpu.memref_slice %arg2[%reduce_max3A_182, %dma_start3A_193] : memref<100000x96xf32, #tpu.memory_space<hbm>> -> memref<1x96xf32, #tpu.memory_space<hbm>>
      tpu.enqueue_dma source(%dma_start3A_194 : memref<1x96xf32, #tpu.memory_space<hbm>>) target(%dma_start3A_192 : memref<1x96xf32, #tpu.memory_space<vmem>>) target_semaphore(%arg7 : memref<!tpu.dma_semaphore, #tpu.memory_space<semaphore_mem>>)
      %eq3A_195 = arith.constant 7 : i32
      %eq3A_196 = vector.broadcast %eq3A_195 : i32 to vector<16xi32>
      %eq3A_197 = arith.cmpi eq, %iota3A, %eq3A_196 : vector<16xi32>
      %jit3A_198 = arith.constant 0 : i32
      %broadcast_in_dim3A_199 = vector.broadcast %jit3A_198 : i32 to vector<16xi32>
      %select_n3A_200 = arith.select %eq3A_197, %get3A_18, %broadcast_in_dim3A_199 : vector<16xi1>, vector<16xi32>
      %reduce_max3A_201 = arith.constant true
      %reduce_max3A_202 = vector.broadcast %reduce_max3A_201 : i1 to vector<16xi1>
      %reduce_max3A_203 = arith.constant -2147483648 : i32
      %reduce_max3A_204 = vector.broadcast %reduce_max3A_203 : i32 to vector<16xi32>
      %reduce_max3A_205 = arith.xori %select_n3A_200, %reduce_max3A_204 : vector<16xi32>
      %reduce_max3A_206 = tpu.scan <max>, %reduce_max3A_205 masked %reduce_max3A_202 : vector<16xi32>, vector<16xi1> -> vector<16xi32>
      %reduce_max3A_207 = arith.xori %reduce_max3A_206, %reduce_max3A_204 : vector<16xi32>
      %reduce_max3A_208 = vector.extract %reduce_max3A_207[15] : i32 from vector<16xi32>
      %mul3A_209 = arith.constant 16 : i32
      %mul3A_210 = arith.muli %scan3A_14, %mul3A_209 : i32
      %add3A_211 = arith.constant 7 : i32
      %add3A_212 = arith.addi %mul3A_210, %add3A_211 : i32
      %dma_start3A_213 = arith.constant 0 : i32
      %dma_start3A_214 = tpu.memref_slice %arg6[%add3A_212, %dma_start3A_213] : memref<256x96xf32, #tpu.memory_space<vmem>> -> memref<1x96xf32, #tpu.memory_space<vmem>>
      %dma_start3A_215 = arith.constant 0 : i32
      %dma_start3A_216 = tpu.memref_slice %arg2[%reduce_max3A_208, %dma_start3A_215] : memref<100000x96xf32, #tpu.memory_space<hbm>> -> memref<1x96xf32, #tpu.memory_space<hbm>>
      %dma_start3A_217 = arith.constant 0 : i32
      %dma_start3A_218 = tpu.memref_slice %arg6[%add3A_212, %dma_start3A_217] : memref<256x96xf32, #tpu.memory_space<vmem>> -> memref<1x96xf32, #tpu.memory_space<vmem>>
      %dma_start3A_219 = arith.constant 0 : i32
      %dma_start3A_220 = tpu.memref_slice %arg2[%reduce_max3A_208, %dma_start3A_219] : memref<100000x96xf32, #tpu.memory_space<hbm>> -> memref<1x96xf32, #tpu.memory_space<hbm>>
      tpu.enqueue_dma source(%dma_start3A_220 : memref<1x96xf32, #tpu.memory_space<hbm>>) target(%dma_start3A_218 : memref<1x96xf32, #tpu.memory_space<vmem>>) target_semaphore(%arg7 : memref<!tpu.dma_semaphore, #tpu.memory_space<semaphore_mem>>)
      %eq3A_221 = arith.constant 8 : i32
      %eq3A_222 = vector.broadcast %eq3A_221 : i32 to vector<16xi32>
      %eq3A_223 = arith.cmpi eq, %iota3A, %eq3A_222 : vector<16xi32>
      %jit3A_224 = arith.constant 0 : i32
      %broadcast_in_dim3A_225 = vector.broadcast %jit3A_224 : i32 to vector<16xi32>
      %select_n3A_226 = arith.select %eq3A_223, %get3A_18, %broadcast_in_dim3A_225 : vector<16xi1>, vector<16xi32>
      %reduce_max3A_227 = arith.constant true
      %reduce_max3A_228 = vector.broadcast %reduce_max3A_227 : i1 to vector<16xi1>
      %reduce_max3A_229 = arith.constant -2147483648 : i32
      %reduce_max3A_230 = vector.broadcast %reduce_max3A_229 : i32 to vector<16xi32>
      %reduce_max3A_231 = arith.xori %select_n3A_226, %reduce_max3A_230 : vector<16xi32>
      %reduce_max3A_232 = tpu.scan <max>, %reduce_max3A_231 masked %reduce_max3A_228 : vector<16xi32>, vector<16xi1> -> vector<16xi32>
      %reduce_max3A_233 = arith.xori %reduce_max3A_232, %reduce_max3A_230 : vector<16xi32>
      %reduce_max3A_234 = vector.extract %reduce_max3A_233[15] : i32 from vector<16xi32>
      %mul3A_235 = arith.constant 16 : i32
      %mul3A_236 = arith.muli %scan3A_14, %mul3A_235 : i32
      %add3A_237 = arith.constant 8 : i32
      %add3A_238 = arith.addi %mul3A_236, %add3A_237 : i32
      %dma_start3A_239 = arith.constant 0 : i32
      %dma_start3A_240 = tpu.memref_slice %arg6[%add3A_238, %dma_start3A_239] : memref<256x96xf32, #tpu.memory_space<vmem>> -> memref<1x96xf32, #tpu.memory_space<vmem>>
      %dma_start3A_241 = arith.constant 0 : i32
      %dma_start3A_242 = tpu.memref_slice %arg2[%reduce_max3A_234, %dma_start3A_241] : memref<100000x96xf32, #tpu.memory_space<hbm>> -> memref<1x96xf32, #tpu.memory_space<hbm>>
      %dma_start3A_243 = arith.constant 0 : i32
      %dma_start3A_244 = tpu.memref_slice %arg6[%add3A_238, %dma_start3A_243] : memref<256x96xf32, #tpu.memory_space<vmem>> -> memref<1x96xf32, #tpu.memory_space<vmem>>
      %dma_start3A_245 = arith.constant 0 : i32
      %dma_start3A_246 = tpu.memref_slice %arg2[%reduce_max3A_234, %dma_start3A_245] : memref<100000x96xf32, #tpu.memory_space<hbm>> -> memref<1x96xf32, #tpu.memory_space<hbm>>
      tpu.enqueue_dma source(%dma_start3A_246 : memref<1x96xf32, #tpu.memory_space<hbm>>) target(%dma_start3A_244 : memref<1x96xf32, #tpu.memory_space<vmem>>) target_semaphore(%arg7 : memref<!tpu.dma_semaphore, #tpu.memory_space<semaphore_mem>>)
      %eq3A_247 = arith.constant 9 : i32
      %eq3A_248 = vector.broadcast %eq3A_247 : i32 to vector<16xi32>
      %eq3A_249 = arith.cmpi eq, %iota3A, %eq3A_248 : vector<16xi32>
      %jit3A_250 = arith.constant 0 : i32
      %broadcast_in_dim3A_251 = vector.broadcast %jit3A_250 : i32 to vector<16xi32>
      %select_n3A_252 = arith.select %eq3A_249, %get3A_18, %broadcast_in_dim3A_251 : vector<16xi1>, vector<16xi32>
      %reduce_max3A_253 = arith.constant true
      %reduce_max3A_254 = vector.broadcast %reduce_max3A_253 : i1 to vector<16xi1>
      %reduce_max3A_255 = arith.constant -2147483648 : i32
      %reduce_max3A_256 = vector.broadcast %reduce_max3A_255 : i32 to vector<16xi32>
      %reduce_max3A_257 = arith.xori %select_n3A_252, %reduce_max3A_256 : vector<16xi32>
      %reduce_max3A_258 = tpu.scan <max>, %reduce_max3A_257 masked %reduce_max3A_254 : vector<16xi32>, vector<16xi1> -> vector<16xi32>
      %reduce_max3A_259 = arith.xori %reduce_max3A_258, %reduce_max3A_256 : vector<16xi32>
      %reduce_max3A_260 = vector.extract %reduce_max3A_259[15] : i32 from vector<16xi32>
      %mul3A_261 = arith.constant 16 : i32
      %mul3A_262 = arith.muli %scan3A_14, %mul3A_261 : i32
      %add3A_263 = arith.constant 9 : i32
      %add3A_264 = arith.addi %mul3A_262, %add3A_263 : i32
      %dma_start3A_265 = arith.constant 0 : i32
      %dma_start3A_266 = tpu.memref_slice %arg6[%add3A_264, %dma_start3A_265] : memref<256x96xf32, #tpu.memory_space<vmem>> -> memref<1x96xf32, #tpu.memory_space<vmem>>
      %dma_start3A_267 = arith.constant 0 : i32
      %dma_start3A_268 = tpu.memref_slice %arg2[%reduce_max3A_260, %dma_start3A_267] : memref<100000x96xf32, #tpu.memory_space<hbm>> -> memref<1x96xf32, #tpu.memory_space<hbm>>
      %dma_start3A_269 = arith.constant 0 : i32
      %dma_start3A_270 = tpu.memref_slice %arg6[%add3A_264, %dma_start3A_269] : memref<256x96xf32, #tpu.memory_space<vmem>> -> memref<1x96xf32, #tpu.memory_space<vmem>>
      %dma_start3A_271 = arith.constant 0 : i32
      %dma_start3A_272 = tpu.memref_slice %arg2[%reduce_max3A_260, %dma_start3A_271] : memref<100000x96xf32, #tpu.memory_space<hbm>> -> memref<1x96xf32, #tpu.memory_space<hbm>>
      tpu.enqueue_dma source(%dma_start3A_272 : memref<1x96xf32, #tpu.memory_space<hbm>>) target(%dma_start3A_270 : memref<1x96xf32, #tpu.memory_space<vmem>>) target_semaphore(%arg7 : memref<!tpu.dma_semaphore, #tpu.memory_space<semaphore_mem>>)
      %eq3A_273 = arith.constant 10 : i32
      %eq3A_274 = vector.broadcast %eq3A_273 : i32 to vector<16xi32>
      %eq3A_275 = arith.cmpi eq, %iota3A, %eq3A_274 : vector<16xi32>
      %jit3A_276 = arith.constant 0 : i32
      %broadcast_in_dim3A_277 = vector.broadcast %jit3A_276 : i32 to vector<16xi32>
      %select_n3A_278 = arith.select %eq3A_275, %get3A_18, %broadcast_in_dim3A_277 : vector<16xi1>, vector<16xi32>
      %reduce_max3A_279 = arith.constant true
      %reduce_max3A_280 = vector.broadcast %reduce_max3A_279 : i1 to vector<16xi1>
      %reduce_max3A_281 = arith.constant -2147483648 : i32
      %reduce_max3A_282 = vector.broadcast %reduce_max3A_281 : i32 to vector<16xi32>
      %reduce_max3A_283 = arith.xori %select_n3A_278, %reduce_max3A_282 : vector<16xi32>
      %reduce_max3A_284 = tpu.scan <max>, %reduce_max3A_283 masked %reduce_max3A_280 : vector<16xi32>, vector<16xi1> -> vector<16xi32>
      %reduce_max3A_285 = arith.xori %reduce_max3A_284, %reduce_max3A_282 : vector<16xi32>
      %reduce_max3A_286 = vector.extract %reduce_max3A_285[15] : i32 from vector<16xi32>
      %mul3A_287 = arith.constant 16 : i32
      %mul3A_288 = arith.muli %scan3A_14, %mul3A_287 : i32
      %add3A_289 = arith.constant 10 : i32
      %add3A_290 = arith.addi %mul3A_288, %add3A_289 : i32
      %dma_start3A_291 = arith.constant 0 : i32
      %dma_start3A_292 = tpu.memref_slice %arg6[%add3A_290, %dma_start3A_291] : memref<256x96xf32, #tpu.memory_space<vmem>> -> memref<1x96xf32, #tpu.memory_space<vmem>>
      %dma_start3A_293 = arith.constant 0 : i32
      %dma_start3A_294 = tpu.memref_slice %arg2[%reduce_max3A_286, %dma_start3A_293] : memref<100000x96xf32, #tpu.memory_space<hbm>> -> memref<1x96xf32, #tpu.memory_space<hbm>>
      %dma_start3A_295 = arith.constant 0 : i32
      %dma_start3A_296 = tpu.memref_slice %arg6[%add3A_290, %dma_start3A_295] : memref<256x96xf32, #tpu.memory_space<vmem>> -> memref<1x96xf32, #tpu.memory_space<vmem>>
      %dma_start3A_297 = arith.constant 0 : i32
      %dma_start3A_298 = tpu.memref_slice %arg2[%reduce_max3A_286, %dma_start3A_297] : memref<100000x96xf32, #tpu.memory_space<hbm>> -> memref<1x96xf32, #tpu.memory_space<hbm>>
      tpu.enqueue_dma source(%dma_start3A_298 : memref<1x96xf32, #tpu.memory_space<hbm>>) target(%dma_start3A_296 : memref<1x96xf32, #tpu.memory_space<vmem>>) target_semaphore(%arg7 : memref<!tpu.dma_semaphore, #tpu.memory_space<semaphore_mem>>)
      %eq3A_299 = arith.constant 11 : i32
      %eq3A_300 = vector.broadcast %eq3A_299 : i32 to vector<16xi32>
      %eq3A_301 = arith.cmpi eq, %iota3A, %eq3A_300 : vector<16xi32>
      %jit3A_302 = arith.constant 0 : i32
      %broadcast_in_dim3A_303 = vector.broadcast %jit3A_302 : i32 to vector<16xi32>
      %select_n3A_304 = arith.select %eq3A_301, %get3A_18, %broadcast_in_dim3A_303 : vector<16xi1>, vector<16xi32>
      %reduce_max3A_305 = arith.constant true
      %reduce_max3A_306 = vector.broadcast %reduce_max3A_305 : i1 to vector<16xi1>
      %reduce_max3A_307 = arith.constant -2147483648 : i32
      %reduce_max3A_308 = vector.broadcast %reduce_max3A_307 : i32 to vector<16xi32>
      %reduce_max3A_309 = arith.xori %select_n3A_304, %reduce_max3A_308 : vector<16xi32>
      %reduce_max3A_310 = tpu.scan <max>, %reduce_max3A_309 masked %reduce_max3A_306 : vector<16xi32>, vector<16xi1> -> vector<16xi32>
      %reduce_max3A_311 = arith.xori %reduce_max3A_310, %reduce_max3A_308 : vector<16xi32>
      %reduce_max3A_312 = vector.extract %reduce_max3A_311[15] : i32 from vector<16xi32>
      %mul3A_313 = arith.constant 16 : i32
      %mul3A_314 = arith.muli %scan3A_14, %mul3A_313 : i32
      %add3A_315 = arith.constant 11 : i32
      %add3A_316 = arith.addi %mul3A_314, %add3A_315 : i32
      %dma_start3A_317 = arith.constant 0 : i32
      %dma_start3A_318 = tpu.memref_slice %arg6[%add3A_316, %dma_start3A_317] : memref<256x96xf32, #tpu.memory_space<vmem>> -> memref<1x96xf32, #tpu.memory_space<vmem>>
      %dma_start3A_319 = arith.constant 0 : i32
      %dma_start3A_320 = tpu.memref_slice %arg2[%reduce_max3A_312, %dma_start3A_319] : memref<100000x96xf32, #tpu.memory_space<hbm>> -> memref<1x96xf32, #tpu.memory_space<hbm>>
      %dma_start3A_321 = arith.constant 0 : i32
      %dma_start3A_322 = tpu.memref_slice %arg6[%add3A_316, %dma_start3A_321] : memref<256x96xf32, #tpu.memory_space<vmem>> -> memref<1x96xf32, #tpu.memory_space<vmem>>
      %dma_start3A_323 = arith.constant 0 : i32
      %dma_start3A_324 = tpu.memref_slice %arg2[%reduce_max3A_312, %dma_start3A_323] : memref<100000x96xf32, #tpu.memory_space<hbm>> -> memref<1x96xf32, #tpu.memory_space<hbm>>
      tpu.enqueue_dma source(%dma_start3A_324 : memref<1x96xf32, #tpu.memory_space<hbm>>) target(%dma_start3A_322 : memref<1x96xf32, #tpu.memory_space<vmem>>) target_semaphore(%arg7 : memref<!tpu.dma_semaphore, #tpu.memory_space<semaphore_mem>>)
      %eq3A_325 = arith.constant 12 : i32
      %eq3A_326 = vector.broadcast %eq3A_325 : i32 to vector<16xi32>
      %eq3A_327 = arith.cmpi eq, %iota3A, %eq3A_326 : vector<16xi32>
      %jit3A_328 = arith.constant 0 : i32
      %broadcast_in_dim3A_329 = vector.broadcast %jit3A_328 : i32 to vector<16xi32>
      %select_n3A_330 = arith.select %eq3A_327, %get3A_18, %broadcast_in_dim3A_329 : vector<16xi1>, vector<16xi32>
      %reduce_max3A_331 = arith.constant true
      %reduce_max3A_332 = vector.broadcast %reduce_max3A_331 : i1 to vector<16xi1>
      %reduce_max3A_333 = arith.constant -2147483648 : i32
      %reduce_max3A_334 = vector.broadcast %reduce_max3A_333 : i32 to vector<16xi32>
      %reduce_max3A_335 = arith.xori %select_n3A_330, %reduce_max3A_334 : vector<16xi32>
      %reduce_max3A_336 = tpu.scan <max>, %reduce_max3A_335 masked %reduce_max3A_332 : vector<16xi32>, vector<16xi1> -> vector<16xi32>
      %reduce_max3A_337 = arith.xori %reduce_max3A_336, %reduce_max3A_334 : vector<16xi32>
      %reduce_max3A_338 = vector.extract %reduce_max3A_337[15] : i32 from vector<16xi32>
      %mul3A_339 = arith.constant 16 : i32
      %mul3A_340 = arith.muli %scan3A_14, %mul3A_339 : i32
      %add3A_341 = arith.constant 12 : i32
      %add3A_342 = arith.addi %mul3A_340, %add3A_341 : i32
      %dma_start3A_343 = arith.constant 0 : i32
      %dma_start3A_344 = tpu.memref_slice %arg6[%add3A_342, %dma_start3A_343] : memref<256x96xf32, #tpu.memory_space<vmem>> -> memref<1x96xf32, #tpu.memory_space<vmem>>
      %dma_start3A_345 = arith.constant 0 : i32
      %dma_start3A_346 = tpu.memref_slice %arg2[%reduce_max3A_338, %dma_start3A_345] : memref<100000x96xf32, #tpu.memory_space<hbm>> -> memref<1x96xf32, #tpu.memory_space<hbm>>
      %dma_start3A_347 = arith.constant 0 : i32
      %dma_start3A_348 = tpu.memref_slice %arg6[%add3A_342, %dma_start3A_347] : memref<256x96xf32, #tpu.memory_space<vmem>> -> memref<1x96xf32, #tpu.memory_space<vmem>>
      %dma_start3A_349 = arith.constant 0 : i32
      %dma_start3A_350 = tpu.memref_slice %arg2[%reduce_max3A_338, %dma_start3A_349] : memref<100000x96xf32, #tpu.memory_space<hbm>> -> memref<1x96xf32, #tpu.memory_space<hbm>>
      tpu.enqueue_dma source(%dma_start3A_350 : memref<1x96xf32, #tpu.memory_space<hbm>>) target(%dma_start3A_348 : memref<1x96xf32, #tpu.memory_space<vmem>>) target_semaphore(%arg7 : memref<!tpu.dma_semaphore, #tpu.memory_space<semaphore_mem>>)
      %eq3A_351 = arith.constant 13 : i32
      %eq3A_352 = vector.broadcast %eq3A_351 : i32 to vector<16xi32>
      %eq3A_353 = arith.cmpi eq, %iota3A, %eq3A_352 : vector<16xi32>
      %jit3A_354 = arith.constant 0 : i32
      %broadcast_in_dim3A_355 = vector.broadcast %jit3A_354 : i32 to vector<16xi32>
      %select_n3A_356 = arith.select %eq3A_353, %get3A_18, %broadcast_in_dim3A_355 : vector<16xi1>, vector<16xi32>
      %reduce_max3A_357 = arith.constant true
      %reduce_max3A_358 = vector.broadcast %reduce_max3A_357 : i1 to vector<16xi1>
      %reduce_max3A_359 = arith.constant -2147483648 : i32
      %reduce_max3A_360 = vector.broadcast %reduce_max3A_359 : i32 to vector<16xi32>
      %reduce_max3A_361 = arith.xori %select_n3A_356, %reduce_max3A_360 : vector<16xi32>
      %reduce_max3A_362 = tpu.scan <max>, %reduce_max3A_361 masked %reduce_max3A_358 : vector<16xi32>, vector<16xi1> -> vector<16xi32>
      %reduce_max3A_363 = arith.xori %reduce_max3A_362, %reduce_max3A_360 : vector<16xi32>
      %reduce_max3A_364 = vector.extract %reduce_max3A_363[15] : i32 from vector<16xi32>
      %mul3A_365 = arith.constant 16 : i32
      %mul3A_366 = arith.muli %scan3A_14, %mul3A_365 : i32
      %add3A_367 = arith.constant 13 : i32
      %add3A_368 = arith.addi %mul3A_366, %add3A_367 : i32
      %dma_start3A_369 = arith.constant 0 : i32
      %dma_start3A_370 = tpu.memref_slice %arg6[%add3A_368, %dma_start3A_369] : memref<256x96xf32, #tpu.memory_space<vmem>> -> memref<1x96xf32, #tpu.memory_space<vmem>>
      %dma_start3A_371 = arith.constant 0 : i32
      %dma_start3A_372 = tpu.memref_slice %arg2[%reduce_max3A_364, %dma_start3A_371] : memref<100000x96xf32, #tpu.memory_space<hbm>> -> memref<1x96xf32, #tpu.memory_space<hbm>>
      %dma_start3A_373 = arith.constant 0 : i32
      %dma_start3A_374 = tpu.memref_slice %arg6[%add3A_368, %dma_start3A_373] : memref<256x96xf32, #tpu.memory_space<vmem>> -> memref<1x96xf32, #tpu.memory_space<vmem>>
      %dma_start3A_375 = arith.constant 0 : i32
      %dma_start3A_376 = tpu.memref_slice %arg2[%reduce_max3A_364, %dma_start3A_375] : memref<100000x96xf32, #tpu.memory_space<hbm>> -> memref<1x96xf32, #tpu.memory_space<hbm>>
      tpu.enqueue_dma source(%dma_start3A_376 : memref<1x96xf32, #tpu.memory_space<hbm>>) target(%dma_start3A_374 : memref<1x96xf32, #tpu.memory_space<vmem>>) target_semaphore(%arg7 : memref<!tpu.dma_semaphore, #tpu.memory_space<semaphore_mem>>)
      %eq3A_377 = arith.constant 14 : i32
      %eq3A_378 = vector.broadcast %eq3A_377 : i32 to vector<16xi32>
      %eq3A_379 = arith.cmpi eq, %iota3A, %eq3A_378 : vector<16xi32>
      %jit3A_380 = arith.constant 0 : i32
      %broadcast_in_dim3A_381 = vector.broadcast %jit3A_380 : i32 to vector<16xi32>
      %select_n3A_382 = arith.select %eq3A_379, %get3A_18, %broadcast_in_dim3A_381 : vector<16xi1>, vector<16xi32>
      %reduce_max3A_383 = arith.constant true
      %reduce_max3A_384 = vector.broadcast %reduce_max3A_383 : i1 to vector<16xi1>
      %reduce_max3A_385 = arith.constant -2147483648 : i32
      %reduce_max3A_386 = vector.broadcast %reduce_max3A_385 : i32 to vector<16xi32>
      %reduce_max3A_387 = arith.xori %select_n3A_382, %reduce_max3A_386 : vector<16xi32>
      %reduce_max3A_388 = tpu.scan <max>, %reduce_max3A_387 masked %reduce_max3A_384 : vector<16xi32>, vector<16xi1> -> vector<16xi32>
      %reduce_max3A_389 = arith.xori %reduce_max3A_388, %reduce_max3A_386 : vector<16xi32>
      %reduce_max3A_390 = vector.extract %reduce_max3A_389[15] : i32 from vector<16xi32>
      %mul3A_391 = arith.constant 16 : i32
      %mul3A_392 = arith.muli %scan3A_14, %mul3A_391 : i32
      %add3A_393 = arith.constant 14 : i32
      %add3A_394 = arith.addi %mul3A_392, %add3A_393 : i32
      %dma_start3A_395 = arith.constant 0 : i32
      %dma_start3A_396 = tpu.memref_slice %arg6[%add3A_394, %dma_start3A_395] : memref<256x96xf32, #tpu.memory_space<vmem>> -> memref<1x96xf32, #tpu.memory_space<vmem>>
      %dma_start3A_397 = arith.constant 0 : i32
      %dma_start3A_398 = tpu.memref_slice %arg2[%reduce_max3A_390, %dma_start3A_397] : memref<100000x96xf32, #tpu.memory_space<hbm>> -> memref<1x96xf32, #tpu.memory_space<hbm>>
      %dma_start3A_399 = arith.constant 0 : i32
      %dma_start3A_400 = tpu.memref_slice %arg6[%add3A_394, %dma_start3A_399] : memref<256x96xf32, #tpu.memory_space<vmem>> -> memref<1x96xf32, #tpu.memory_space<vmem>>
      %dma_start3A_401 = arith.constant 0 : i32
      %dma_start3A_402 = tpu.memref_slice %arg2[%reduce_max3A_390, %dma_start3A_401] : memref<100000x96xf32, #tpu.memory_space<hbm>> -> memref<1x96xf32, #tpu.memory_space<hbm>>
      tpu.enqueue_dma source(%dma_start3A_402 : memref<1x96xf32, #tpu.memory_space<hbm>>) target(%dma_start3A_400 : memref<1x96xf32, #tpu.memory_space<vmem>>) target_semaphore(%arg7 : memref<!tpu.dma_semaphore, #tpu.memory_space<semaphore_mem>>)
      %eq3A_403 = arith.constant 15 : i32
      %eq3A_404 = vector.broadcast %eq3A_403 : i32 to vector<16xi32>
      %eq3A_405 = arith.cmpi eq, %iota3A, %eq3A_404 : vector<16xi32>
      %jit3A_406 = arith.constant 0 : i32
      %broadcast_in_dim3A_407 = vector.broadcast %jit3A_406 : i32 to vector<16xi32>
      %select_n3A_408 = arith.select %eq3A_405, %get3A_18, %broadcast_in_dim3A_407 : vector<16xi1>, vector<16xi32>
      %reduce_max3A_409 = arith.constant true
      %reduce_max3A_410 = vector.broadcast %reduce_max3A_409 : i1 to vector<16xi1>
      %reduce_max3A_411 = arith.constant -2147483648 : i32
      %reduce_max3A_412 = vector.broadcast %reduce_max3A_411 : i32 to vector<16xi32>
      %reduce_max3A_413 = arith.xori %select_n3A_408, %reduce_max3A_412 : vector<16xi32>
      %reduce_max3A_414 = tpu.scan <max>, %reduce_max3A_413 masked %reduce_max3A_410 : vector<16xi32>, vector<16xi1> -> vector<16xi32>
      %reduce_max3A_415 = arith.xori %reduce_max3A_414, %reduce_max3A_412 : vector<16xi32>
      %reduce_max3A_416 = vector.extract %reduce_max3A_415[15] : i32 from vector<16xi32>
      %mul3A_417 = arith.constant 16 : i32
      %mul3A_418 = arith.muli %scan3A_14, %mul3A_417 : i32
      %add3A_419 = arith.constant 15 : i32
      %add3A_420 = arith.addi %mul3A_418, %add3A_419 : i32
      %dma_start3A_421 = arith.constant 0 : i32
      %dma_start3A_422 = tpu.memref_slice %arg6[%add3A_420, %dma_start3A_421] : memref<256x96xf32, #tpu.memory_space<vmem>> -> memref<1x96xf32, #tpu.memory_space<vmem>>
      %dma_start3A_423 = arith.constant 0 : i32
      %dma_start3A_424 = tpu.memref_slice %arg2[%reduce_max3A_416, %dma_start3A_423] : memref<100000x96xf32, #tpu.memory_space<hbm>> -> memref<1x96xf32, #tpu.memory_space<hbm>>
      %dma_start3A_425 = arith.constant 0 : i32
      %dma_start3A_426 = tpu.memref_slice %arg6[%add3A_420, %dma_start3A_425] : memref<256x96xf32, #tpu.memory_space<vmem>> -> memref<1x96xf32, #tpu.memory_space<vmem>>
      %dma_start3A_427 = arith.constant 0 : i32
      %dma_start3A_428 = tpu.memref_slice %arg2[%reduce_max3A_416, %dma_start3A_427] : memref<100000x96xf32, #tpu.memory_space<hbm>> -> memref<1x96xf32, #tpu.memory_space<hbm>>
      tpu.enqueue_dma source(%dma_start3A_428 : memref<1x96xf32, #tpu.memory_space<hbm>>) target(%dma_start3A_426 : memref<1x96xf32, #tpu.memory_space<vmem>>) target_semaphore(%arg7 : memref<!tpu.dma_semaphore, #tpu.memory_space<semaphore_mem>>)
      %scan3A_429 = arith.constant 0 : i32
      scf.yield %scan3A_429 : i32
    }
    %scan3A_8 = arith.constant 16 : i32
    %dma_wait3A = arith.constant 0 : i32
    %dma_wait3A_9 = arith.constant 0 : i32
    %dma_wait3A_10 = tpu.memref_slice %arg2[%dma_wait3A, %dma_wait3A_9] : memref<100000x96xf32, #tpu.memory_space<hbm>> -> memref<256x96xf32, #tpu.memory_space<hbm>>
    %dma_wait3A_11 = arith.constant 0 : i32
    %dma_wait3A_12 = arith.constant 0 : i32
    %dma_wait3A_13 = tpu.memref_slice %arg2[%dma_wait3A_11, %dma_wait3A_12] : memref<100000x96xf32, #tpu.memory_space<hbm>> -> memref<256x96xf32, #tpu.memory_space<hbm>>
    tpu.wait_dma2 semaphore(%arg7 : memref<!tpu.dma_semaphore, #tpu.memory_space<semaphore_mem>>) src(%dma_wait3A_13 : memref<256x96xf32, #tpu.memory_space<hbm>>) dst(%arg6 : memref<256x96xf32, #tpu.memory_space<vmem>>)
    "tpu.region"() ({
      %run_scoped3A = tpu.sem_alloc : memref<!tpu.dma_semaphore, #tpu.memory_space<semaphore_mem>>
      %dma_start3A = arith.constant 0 : i32
      %dma_start3A_14 = tpu.memref_slice %arg4[%mul3A_2, %dma_start3A] : memref<8192x96xf32, #tpu.memory_space<hbm>> -> memref<256x96xf32, #tpu.memory_space<hbm>>
      %dma_start3A_15 = arith.constant 0 : i32
      %dma_start3A_16 = tpu.memref_slice %arg4[%mul3A_2, %dma_start3A_15] : memref<8192x96xf32, #tpu.memory_space<hbm>> -> memref<256x96xf32, #tpu.memory_space<hbm>>
      tpu.enqueue_dma source(%arg6 : memref<256x96xf32, #tpu.memory_space<vmem>>) target(%dma_start3A_16 : memref<256x96xf32, #tpu.memory_space<hbm>>) target_semaphore(%run_scoped3A : memref<!tpu.dma_semaphore, #tpu.memory_space<semaphore_mem>>)
      %dma_wait3A_17 = arith.constant 0 : i32
      %dma_wait3A_18 = tpu.memref_slice %arg4[%mul3A_2, %dma_wait3A_17] : memref<8192x96xf32, #tpu.memory_space<hbm>> -> memref<256x96xf32, #tpu.memory_space<hbm>>
      %dma_wait3A_19 = arith.constant 0 : i32
      %dma_wait3A_20 = tpu.memref_slice %arg4[%mul3A_2, %dma_wait3A_19] : memref<8192x96xf32, #tpu.memory_space<hbm>> -> memref<256x96xf32, #tpu.memory_space<hbm>>
      tpu.wait_dma2 semaphore(%run_scoped3A : memref<!tpu.dma_semaphore, #tpu.memory_space<semaphore_mem>>) src(%arg6 : memref<256x96xf32, #tpu.memory_space<vmem>>) dst(%dma_wait3A_20 : memref<256x96xf32, #tpu.memory_space<hbm>>)
      tpu.yield
    }) : () -> ()
    return
  }
}

module attributes {stable_mosaic.version = 14 : i64} {
  func.func @_ln_body(%arg0: i32, %arg1: memref<512x96xf32, #tpu.memory_space<vmem>>, %arg2: memref<512x32xf32, #tpu.memory_space<vmem>>, %arg3: memref<2048x128xf32, #tpu.memory_space<vmem>>, %arg4: memref<2x128xf32, #tpu.memory_space<vmem>>, %arg5: memref<1x128xf32, #tpu.memory_space<vmem>>, %arg6: memref<1x128xf32, #tpu.memory_space<vmem>>, %arg7: memref<512x128xf32, #tpu.memory_space<vmem>>) attributes {dimension_semantics = [#tpu.dimension_semantics<arbitrary>], iteration_bounds = array<i64: 16>, scalar_prefetch = 0 : i64, scratch_operands = 0 : i64, tpu.core_type = #tpu.core_type<tc>, window_params = [{transform_indices = @transform_0, window_bounds = array<i64: 512, 96>}, {transform_indices = @transform_1, window_bounds = array<i64: 512, 32>}, {transform_indices = @transform_2, window_bounds = array<i64: 2048, 128>}, {pipeline_mode = #tpu.pipeline_mode<synchronous>, transform_indices = @transform_3, window_bounds = array<i64: 2, 128>}, {pipeline_mode = #tpu.pipeline_mode<synchronous>, transform_indices = @transform_4, window_bounds = array<i64: 1, 128>}, {pipeline_mode = #tpu.pipeline_mode<synchronous>, transform_indices = @transform_5, window_bounds = array<i64: 1, 128>}, {transform_indices = @transform_6, window_bounds = array<i64: 512, 128>}]} {
    %jit3A = arith.constant 4 : i32
    %eq3A = arith.constant 0 : i32
    %eq3A_0 = arith.cmpi eq, %jit3A, %eq3A : i32
    %jit3A_1 = arith.constant 1 : i32
    %select_n3A = arith.select %eq3A_0, %jit3A_1, %jit3A : i32
    %rem3A = arith.remsi %arg0, %select_n3A : i32
    %ne3A = arith.constant 0 : i32
    %ne3A_2 = arith.cmpi ne, %rem3A, %ne3A : i32
    %lt3A = arith.constant 0 : i32
    %lt3A_3 = arith.cmpi slt, %rem3A, %lt3A : i32
    %lt3A_4 = arith.constant 0 : i32
    %lt3A_5 = arith.cmpi slt, %select_n3A, %lt3A_4 : i32
    %ne3A_6 = arith.xori %lt3A_3, %lt3A_5 : i1
    %and3A = arith.andi %ne3A_6, %ne3A_2 : i1
    %add3A = arith.addi %rem3A, %select_n3A : i32
    %select_n3A_7 = arith.select %and3A, %add3A, %rem3A : i32
    %mul3A = arith.constant 512 : i32
    %mul3A_8 = arith.muli %select_n3A_7, %mul3A : i32
    %get3A = arith.constant 0 : index
    %get3A_9 = arith.constant 0 : index
    %get3A_10 = vector.load %arg1[%get3A, %get3A_9] : memref<512x96xf32, #tpu.memory_space<vmem>>, vector<512x96xf32>
    %get3A_11 = arith.constant 0 : index
    %get3A_12 = arith.constant 0 : index
    %get3A_13 = vector.load %arg2[%get3A_11, %get3A_12] : memref<512x32xf32, #tpu.memory_space<vmem>>, vector<512x32xf32>
    %concatenate3A = tpu.concatenate %get3A_10, %get3A_13 in 1 : vector<512x96xf32>, vector<512x32xf32> -> vector<512x128xf32>
    %get3A_14 = arith.index_cast %mul3A_8 : i32 to index
    %get3A_15 = arith.constant 0 : index
    %get3A_16 = vector.load %arg3[%get3A_14, %get3A_15] : memref<2048x128xf32, #tpu.memory_space<vmem>>, vector<512x128xf32>
    %add3A_17 = arith.addf %concatenate3A, %get3A_16 : vector<512x128xf32>
    %get3A_18 = arith.constant 0 : index
    %get3A_19 = arith.constant 0 : index
    %get3A_20 = vector.load %arg4[%get3A_18, %get3A_19] : memref<2x128xf32, #tpu.memory_space<vmem>>, vector<1x128xf32>
    %add3A_21 = vector.broadcast %get3A_20 : vector<1x128xf32> to vector<512x128xf32>
    %add3A_22 = arith.addf %add3A_17, %add3A_21 : vector<512x128xf32>
    %reduce_sum3A = arith.constant dense<0.000000e+00> : vector<512xf32>
    %reduce_sum3A_23 = vector.multi_reduction <add>, %add3A_22, %reduce_sum3A [1] : vector<512x128xf32> to vector<512xf32>
    %broadcast_in_dim3A = vector.shape_cast %reduce_sum3A_23 : vector<512xf32> to vector<512x1xf32>
    %div3A = arith.constant 1.280000e+02 : f32
    %div3A_24 = vector.broadcast %div3A : f32 to vector<512x1xf32>
    %div3A_25 = arith.divf %broadcast_in_dim3A, %div3A_24 : vector<512x1xf32>
    %sub3A = vector.broadcast %div3A_25 : vector<512x1xf32> to vector<512x128xf32>
    %sub3A_26 = arith.subf %add3A_22, %sub3A : vector<512x128xf32>
    %mul3A_27 = arith.mulf %sub3A_26, %sub3A_26 : vector<512x128xf32>
    %reduce_sum3A_28 = arith.constant dense<0.000000e+00> : vector<512xf32>
    %reduce_sum3A_29 = vector.multi_reduction <add>, %mul3A_27, %reduce_sum3A_28 [1] : vector<512x128xf32> to vector<512xf32>
    %broadcast_in_dim3A_30 = vector.shape_cast %reduce_sum3A_29 : vector<512xf32> to vector<512x1xf32>
    %div3A_31 = arith.constant 1.280000e+02 : f32
    %div3A_32 = vector.broadcast %div3A_31 : f32 to vector<512x1xf32>
    %div3A_33 = arith.divf %broadcast_in_dim3A_30, %div3A_32 : vector<512x1xf32>
    %add3A_34 = arith.constant 9.99999996E-13 : f32
    %add3A_35 = vector.broadcast %add3A_34 : f32 to vector<512x1xf32>
    %add3A_36 = arith.addf %div3A_33, %add3A_35 : vector<512x1xf32>
    %rsqrt3A = math.rsqrt %add3A_36 : vector<512x1xf32>
    %mul3A_37 = vector.broadcast %rsqrt3A : vector<512x1xf32> to vector<512x128xf32>
    %mul3A_38 = arith.mulf %sub3A_26, %mul3A_37 : vector<512x128xf32>
    %get3A_39 = arith.constant 0 : index
    %get3A_40 = arith.constant 0 : index
    %get3A_41 = vector.load %arg5[%get3A_39, %get3A_40] : memref<1x128xf32, #tpu.memory_space<vmem>>, vector<1x128xf32>
    %mul3A_42 = vector.broadcast %get3A_41 : vector<1x128xf32> to vector<512x128xf32>
    %mul3A_43 = arith.mulf %mul3A_38, %mul3A_42 : vector<512x128xf32>
    %get3A_44 = arith.constant 0 : index
    %get3A_45 = arith.constant 0 : index
    %get3A_46 = vector.load %arg6[%get3A_44, %get3A_45] : memref<1x128xf32, #tpu.memory_space<vmem>>, vector<1x128xf32>
    %add3A_47 = vector.broadcast %get3A_46 : vector<1x128xf32> to vector<512x128xf32>
    %add3A_48 = arith.addf %mul3A_43, %add3A_47 : vector<512x128xf32>
    %swap3A = arith.constant 0 : index
    %swap3A_49 = arith.constant 0 : index
    %swap3A_50 = vector.load %arg7[%swap3A, %swap3A_49] : memref<512x128xf32, #tpu.memory_space<vmem>>, vector<512x128xf32>
    tpu.vector_store %arg7[%swap3A, %swap3A_49], %add3A_48 {strides = array<i32>} : memref<512x128xf32, #tpu.memory_space<vmem>>, vector<512x128xf32>,
    return
  }
  func.func @transform_0(%arg0: i32) -> (i32, i32) {
    %c0_i32 = arith.constant 0 : i32
    %c0_i32_0 = arith.constant 0 : i32
    return %arg0, %c0_i32 : i32, i32
  }
  func.func @transform_1(%arg0: i32) -> (i32, i32) {
    %c0_i32 = arith.constant 0 : i32
    %c0_i32_0 = arith.constant 0 : i32
    return %arg0, %c0_i32 : i32, i32
  }
  func.func @transform_2(%arg0: i32) -> (i32, i32) {
    %c0_i32 = arith.constant 0 : i32
    %c0_i32_0 = arith.constant 0 : i32
    %c0_i32_1 = arith.constant 0 : i32
    return %c0_i32, %c0_i32_0 : i32, i32
  }
  func.func @transform_3(%arg0: i32) -> (i32, i32) {
    %c0_i32 = arith.constant 0 : i32
    %c0_i32_0 = arith.constant 0 : i32
    %c0_i32_1 = arith.constant 0 : i32
    return %c0_i32, %c0_i32_0 : i32, i32
  }
  func.func @transform_4(%arg0: i32) -> (i32, i32) {
    %c0_i32 = arith.constant 0 : i32
    %c0_i32_0 = arith.constant 0 : i32
    %c0_i32_1 = arith.constant 0 : i32
    return %c0_i32, %c0_i32_0 : i32, i32
  }
  func.func @transform_5(%arg0: i32) -> (i32, i32) {
    %c0_i32 = arith.constant 0 : i32
    %c0_i32_0 = arith.constant 0 : i32
    %c0_i32_1 = arith.constant 0 : i32
    return %c0_i32, %c0_i32_0 : i32, i32
  }
  func.func @transform_6(%arg0: i32) -> (i32, i32) {
    %c0_i32 = arith.constant 0 : i32
    %c0_i32_0 = arith.constant 0 : i32
    return %arg0, %c0_i32 : i32, i32
  }
}

</mosaic_0001>

<sc_bundles>
// kernel: kernel.4.cloned.1.call-start
scs
__scs_entry_jumppad:
0x0: {  	(pc) =	sbr.rel $0x88, $3  }
0x1: {  	(tag) =	ssettag $0x0;
	lr =	simm.s32 $0x1  }
0x2: {  	[smem:$0x3F9A] =	sst lr;
	_ =	strace $0xD0000000  }
0x3: {  	_ = 	snop  }
0x4: {  	_ = 	snop  }
0x5: {  	_ = 	snop  }
0x6: {  	_ = 	snop  }
0x7: {  	_ = 	snop  }
__scs_overlays_trampoline_lowered:
0x8: {  	[smem:$0x3FA9] =	sst s0  }
0x9: {  	[smem:$0x3FAA] =	sst s1  }
0xa: {  	[smem:$0x3FAB] =	sst s2  }
0xb: {  	[smem:$0x3FAC] =	sst s3  }
0xc: {  	[smem:$0x3FAD] =	sst s4  }
0xd: {  	[smem:$0x3FAE] =	sst s5  }
0xe: {  	[smem:$0x3FAF] =	sst s6  }
0xf: {  	[smem:$0x3FB0] =	sst s7  }
0x10: {  	[smem:$0x3FB1] =	sst s8  }
0x11: {  	[smem:$0x3FB2] =	sst s9;
	s0 =	simm.s32 @!p0 $0x0  }
0x12: {  	s1 =	sld [smem:$0x3F98];
	s0 =	simm.s32 @p0 $0x1  }
0x13: {  	[smem:$0x3FB3] =	sst s0;
	s0 =	simm.s32 @!p1 $0x0  }
0x14: {  	s2 =	sld [smem:$0x3F97];
	s0 =	simm.s32 @p1 $0x1  }
0x15: {  	[smem:$0x3FB4] =	sst s0;
	s0 =	simm.s32 @!p2 $0x0  }
0x16: {  	s3 =	sld [smem:$0x3FDB];
	s0 =	simm.s32 @p2 $0x1  }
0x17: {  	s4 =	simm.s32 $0x1BF5;
	[smem:$0x3FB6] =	sst s0  }
0x18: {  	s0 =	sld [smem:$0x3F99];
	_ =	swait.ge [sflag:s4], $0x0  }
0x19: {  	s7 =	sld [smem:$0x3F9A]  }
0x1a: {  	s8 =	sadd.s32 $0xFFFFE003, lr  }
0x1b: {  	s9 =	sadd.s32 $0xFFFFFEF7, lr;
	s5 =	simm.s32 $0xFFFFFFFF;
	p2 =	slt.u32 s8, $0xFFFFF086  }
0x1c: {  	p1 =	slt.u32 s9, $0xF7A;
	s5 =	simm.s32 @!p2 $0x0  }
0x1d: {  	s5 =	simm.s32 @p1 $0x1;
	p0 =	seq.s32 s7, s2  }
0x1e: {  	s7 =	smul.u32 @!p0 $0xF7A, s2;
	p2 =	seq.s32 @!p0 s5, $0x0  }
0x1f: {  	s9 =	smul.u32 $0xF7A, s1;
	s8 =	simm.s32 @!p0 $0x1BF5;
	p2 =	por !p2, p0  }
0x20: {  	[sflag:s8] =	ssyncset.s32 @!p0 $0xFFFFF086;
	s6 =	sadd.s32 @!p0 s3, s7;
	s7 =	simm.s32 @!p0 $0x108  }
0x21: {  	s3 =	sadd.s32 s3, s9;
	s6 =	sadd.s32 @!p0 $0x88, s6;
	s7 =	simm.s32 @p2 $0x1082  }
0x22: {  	[simem:s7], [sflag:s8] =	dma.local @!p0 [hbm:s6], $0xF7A  }
0x23: {  	s9 =	sor.u32 $0xD0000000, s2;
	s6 =	simm.s32 $0x108;
	_ =	swait.ge @!p0 [sflag:s8], $0x0  }
0x24: {  	s3 =	sadd.s32 $0x88, s3;
	s6 =	simm.s32 @!p1 $0x1082;
	[sflag:s4] =	ssyncset.s32 $0xFFFFF086  }
0x25: {  	[simem:s6], [sflag:s4] =	dma.local [hbm:s3], $0xF7A  }
0x26: {  	[smem:$0x3F9A] =	sst s1;
	(tag) =	ssettag s2;
	_ =	strace s9  }
0x27: {  	s1 =	sld [smem:$0x3FAA]  }
0x28: {  	s2 =	sld [smem:$0x3FAB]  }
0x29: {  	s4 =	sld [smem:$0x3FAD]  }
0x2a: {  	p0 =	seq.s32 s5, $0x0;
	s5 =	sld [smem:$0x3FAE]  }
0x2b: {  	s6 =	sld [smem:$0x3FAF]  }
0x2c: {  	s7 =	sld [smem:$0x3FB0]  }
0x2d: {  	s3 =	simm.s32 $0x108;
	s8 =	sld [smem:$0x3FB1]  }
0x2e: {  	s3 =	simm.s32 @!p0 $0x1082;
	s9 =	sld [smem:$0x3FB2]  }
0x2f: {  	lr =	sadd.s32 s0, s3;
	s0 =	sld [smem:$0x3FA9]  }
0x30: {  	s3 =	sld [smem:$0x3FAC]  }
0x31: {  	[smem:$0x3FB5] =	sst s10  }
0x32: {  	s10 =	sld [smem:$0x3FB3];
	_ =	sdelay $0x3  }
0x33: {  	p0 =	seq.s32 s10, $0x1;
	s10 =	sld [smem:$0x3FB5];
	_ =	sdelay $0x3  }
0x34: {  	[smem:$0x3FB5] =	sst s10  }
0x35: {  	s10 =	sld [smem:$0x3FB4];
	_ =	sdelay $0x3  }
0x36: {  	p1 =	seq.s32 s10, $0x1;
	s10 =	sld [smem:$0x3FB5];
	_ =	sdelay $0x3  }
0x37: {  	[smem:$0x3FB5] =	sst s10  }
0x38: {  	s10 =	sld [smem:$0x3FB6]  }
0x39: {  	_ = 	snop;
	(pc) =	sbr.ind lr, $3  }
0x3a: {  	_ = 	snop  }
0x3b: {  	_ = 	snop  }
0x3c: {  	p2 =	seq.s32 s10, $0x1;
	s10 =	sld [smem:$0x3FB5]  }
0x3d: {  	_ =	shalt  }
0x3e: {  	_ =	shalt  }
0x3f: {  	_ =	shalt  }
0x40: {  	_ =	shalt  }
0x41: {  	_ =	shalt  }
0x42: {  	_ =	shalt  }
0x43: {  	_ =	shalt  }
0x44: {  	_ =	shalt  }
0x45: {  	_ =	shalt  }
0x46: {  	_ =	shalt  }
0x47: {  	_ =	shalt  }
0x48: {  	_ =	shalt  }
0x49: {  	_ =	shalt  }
0x4a: {  	_ =	shalt  }
0x4b: {  	_ =	shalt  }
0x4c: {  	_ =	shalt  }
0x4d: {  	_ =	shalt  }
0x4e: {  	_ =	shalt  }
0x4f: {  	_ =	shalt  }
0x50: {  	_ =	shalt  }
0x51: {  	_ =	shalt  }
0x52: {  	_ =	shalt  }
0x53: {  	_ =	shalt  }
0x54: {  	_ =	shalt  }
0x55: {  	_ =	shalt  }
0x56: {  	_ =	shalt  }
0x57: {  	_ =	shalt  }
0x58: {  	_ =	shalt  }
0x59: {  	_ =	shalt  }
0x5a: {  	_ =	shalt  }
0x5b: {  	_ =	shalt  }
0x5c: {  	_ =	shalt  }
0x5d: {  	_ =	shalt  }
0x5e: {  	_ =	shalt  }
0x5f: {  	_ =	shalt  }
0x60: {  	_ =	shalt  }
0x61: {  	_ =	shalt  }
0x62: {  	_ =	shalt  }
0x63: {  	_ =	shalt  }
0x64: {  	_ =	shalt  }
0x65: {  	_ =	shalt  }
0x66: {  	_ =	shalt  }
0x67: {  	_ =	shalt  }
0x68: {  	_ =	shalt  }
0x69: {  	_ =	shalt  }
0x6a: {  	_ =	shalt  }
0x6b: {  	_ =	shalt  }
0x6c: {  	_ =	shalt  }
0x6d: {  	_ =	shalt  }
0x6e: {  	_ =	shalt  }
0x6f: {  	_ =	shalt  }
0x70: {  	_ =	shalt  }
0x71: {  	_ =	shalt  }
0x72: {  	_ =	shalt  }
0x73: {  	_ =	shalt  }
0x74: {  	_ =	shalt  }
0x75: {  	_ =	shalt  }
0x76: {  	_ =	shalt  }
0x77: {  	_ =	shalt  }
0x78: {  	_ =	shalt  }
0x79: {  	_ =	shalt  }
0x7a: {  	_ =	shalt  }
0x7b: {  	_ =	shalt  }
0x7c: {  	_ =	shalt  }
0x7d: {  	_ =	shalt  }
0x7e: {  	_ =	shalt  }
0x7f: {  	_ =	shalt  }
0x80: {  	_ =	shalt  }
0x81: {  	_ =	shalt  }
0x82: {  	_ =	shalt  }
0x83: {  	_ =	shalt  }
0x84: {  	_ =	shalt  }
0x85: {  	_ =	shalt  }
0x86: {  	_ =	shalt  }
0x87: {  	_ =	shalt  }
.Lfunc_end0:
.L_simem_size_0:
called_computation_lowered:
.L_overlay_start_0:
0x88: {  	s2 =	sld [smem:$0x3FD9]  }
0x89: {  	s3 =	sld [smem:$0x3FFE];
	_ =	sdelay $0x1  }
0x8a: {  	s1 =	srdreg.scid  }
0x8b: {  	s0 =	sand.u32 $0x1, s1  }
0x8c: {  	s17 =	sshll.u32 s0, $0xA;
	s2 =	sadd.s32 s3, s2  }
0x8d: {  	s2 =	sadd.s32 s2, s17  }
0x8e: {  	[smem:$0x3FC1] =	sst s2  }
0x8f: {  	_ = 	snop  }
0x90: {  	s2 =	sld [smem:$0x3FD0];
	(tm) =	ssettm $0x1  }
0x91: {  	s18 =	sld [smem:$0x3FFB];
	_ =	sdelay $0x3  }
0x92: {  	_ =	strace s18  }
0x93: {  	s3 =	sld [smem:$0x3FFC];
	_ =	sdelay $0x3  }
0x94: {  	_ =	strace s3  }
0x95: {  	s3 =	sld [smem:$0x3FFD];
	_ =	sdelay $0x3  }
0x96: {  	_ =	strace s3  }
0x97: {  	_ =	strace $0x8FFFFFFF  }
0x98: {  	s19 =	sld [smem:$0x3FDB];
	_ =	sdelay $0x1  }
0x99: {  	s4 =	simm.s32 $_scs_section_size  }
0x9a: {  	s5 =	simm.s32 $_size__tile_overlayer_lowered;
	s6 =	simm.s32 $_tile_overlayer_lowered  }
0x9b: {  	s22 =	simm.s32 $0x1BFF;
	s21 =	sshll.u32 s6, $0x1;
	s3 =	sadd.s32 s4, s19  }
0x9c: {  	s7 =	simm.s32 $0x0;
	s20 =	sshll.u32 s5, $0x1;
	s5 =	sadd.s32 s21, s3  }
0x9d: {  	[timem:s7], [sflag:s22] =	dma.local [hbm:s5], s20  }
0x9e: {  	_ =	swait.ge [sflag:s22], s20  }
0x9f: {  	s4 =	ssub.s32 $0x0, s20;
	[sflag:s22] =	ssyncset.done $0x0  }
0xa0: {  	[sflag:s22] =	ssyncadd.s32 s4;
	_ =	sdelay $0x1  }
0xa1: {  	s23 =	simm.s32 $0x1B8B  }
0xa2: {  	_ =	swait.ge [sflag:s23], $0x1  }
0xa3: {  	[sflag:s23] =	ssyncset.done $0x0  }
0xa4: {  	s25 =	simm.s32 $0x1B8E;
	s24 =	sld [smem:$0x3FFE];
	[sflag:s23] =	ssyncadd.s32 $0xFFFFFFFF  }
0xa5: {  	s26 =	simm.s32 $execute0_lowered;
	[smem:$0x3FD2] =	sst s25  }
0xa6: {  	s5 =	sshll.u32 s26, $0x1;
	_ =	strace $0x80000046;
	[dreg:$0x1] =	wrdreg $0xFFFFFFFF  }
0xa7: {  	s28 =	simm.s32 $_size_execute0_lowered;
	s3 =	sadd.s32 s3, s5;
	[dreg:$0x0] =	wrdreg $0x0  }
0xa8: {  	s5 =	sshll.u32 s28, $0x1;
	[dreg:$0x2] =	wrdreg s3  }
0xa9: {  	[dreg:$0x3] =	wrdreg s5  }
0xaa: {  	[dreg:$0x4] =	wrdreg $0xC0  }
0xab: {  	_ =	task [dreg:s7], $0x5FFFF  }
0xac: {  	[dreg:$0x1] =	wrdreg $0xFFFFFFFF  }
0xad: {  	[dreg:$0x0] =	wrdreg $0x60  }
0xae: {  	[dreg:$0x2] =	wrdreg s24  }
0xaf: {  	[dreg:$0x3] =	wrdreg s2  }
0xb0: {  	[dreg:$0x4] =	wrdreg $0x9  }
0xb1: {  	_ =	task.clear_ibuf [dreg:s7], $0x5FFFF;
	_ =	strace $0x90000046  }
0xb2: {  	s29 =	simm.s32 $0x9;
	_ =	strace $0x80000048  }
0xb3: {  	_ =	swait.ge [sflag:s29], $0x1  }
0xb4: {  	[sflag:s29] =	ssyncadd.s32 $0xFFFFFFFF  }
0xb5: {  	_ =	strace $0x90000048  }
0xb6: {  	_ =	sfence  }
0xb7: {  	s30 =	sld [smem:$0x0];
	_ =	sdelay $0x2  }
0xb8: {  	s31 =	sshll.u32 s1, $0xD;
	s1 =	sshrl.u32 s1, $0x2  }
0xb9: {  	s3 =	sand.u32 $0x4000, s31;
	s1 =	sadd.s32 s1, s30  }
0xba: {  	s0 =	sor.u32 s3, s0;
	s1 =	sshll.u32 s1, $0x11  }
0xbb: {  	s0 =	sor.u32 s1, s0  }
0xbc: {  	s0 =	sadd.s32 $0x8F2B, s0  }
0xbd: {  	[sflag:s0] =	ssyncadd.remote.s32 $0x1  }
0xbe: {  	_ =	sfence.sel $0xFFFF  }
0xbf: {  	[dreg:$0x0] =	wrdreg $0xFFFFFFFF;
	(pc) =	sbr.abs _section_cstart, $3  }
0xc0: {  	[dreg:$0x1] =	wrdreg $0xFFFFFFFF  }
0xc1: {  	_ =	task.clear_ibuf [dreg:s7], $0x2FFFF;
	_ =	strace $0x9FFFFFFF  }
0xc2: {  	(tm) =	ssettm $0x7FFFFFFF  }
0xc3: {  	_ =	shalt  }
tec
execute0_lowered:
.L_overlay_start_1:
0x0: {  	(tag) =	ssettag $0x1  }
0x1: {  	s0 =	rddreg [dreg:$0x0]  }
0x2: {  	s1 =	rddreg [dreg:$0x1];
	s2 =	srdreg.scid  }
0x3: {  	s4 =	stileid.u32;
	s7 =	simm.s32 $0x2;
	s8 =	simm.s32 $0x1  }
0x4: {  	vm0 =	vmmov $0x1;
	s10 =	simm.s32 $0x0;
	s3 =	sand.u32 $0x1, s2;
	s2 =	simm.s32 $0x0  }
0x5: {  	vm1 =	vcmask $0x308;
	vm2 =	vcmask $0x70C;
	vm3 =	vcmask $0xB10;
	s4 =	sshll.u32 s4, $0x9;
	s5 =	sshll.u32 s3, $0x8;
	[smem:$0x7FF] =	sst s2  }
0x6: {  	vm4 =	vcmask $0xF14;
	vm5 =	vcmask $0x1318;
	vm6 =	vcmask $0x171C;
	s6 =	ssub.s32 $0x2, s3;
	s3 =	sadd.s32 $0x1200, s0;
	s5 =	sor.u32 s5, s4  }
0x7: {  	vm7 =	vcmask $0x1B20;
	vm8 =	vcmask $0x1F24;
	vm9 =	vcmask $0x2328;
	_ =	strace $0x80000047;
	s30 =	sshrl.u32 s6, $0x1;
	s4 =	sshrl.u32 s5, $0x3  }
0x8: {  	vm10 =	vcmask $0x272C;
	vm11 =	vcmask $0x2B30;
	vm12 =	vcmask $0x2F34;
	s6 =	ssub.s32 s6, s30;
	s31 =	sshll.u32 s5, $0x4;
	s0 =	sadd.s32 s4, s0  }
0x9: {  	vm13 =	vcmask $0x3338;
	vm14 =	vcmask $0x373C;
	vm15 =	vmmov $0x7fff;
	s5 =	sadd.s32 s1, s31;
	s6 =	smax.u32 s6, $0x1;
	s4 =	sadd.s32 $0x187C00, s0  }
.LBB2_1:
0xa: {  	[tilespmem:s2], [sflag:$0x2] =	stream.linear.gather [hbm4b:s4+s2], $0x100, $0x38;
	[tilespmem:$0x8100] =	vst v63  }
0xb: {  	_ =	swait.ge [sflag:s7], $0x100  }
0xc: {  	[sflag:s7] =	ssyncset.done $0x0  }
0xd: {  	[sflag:s7] =	ssyncadd.s32 $0xFFFFFF00  }
0xe: {  	v0 =	vld [tilespmem:s2+$0x0];
	_ =	sdelay $0x4  }
0xf: {  	v1 =	vsel vm3, $0x0, v0  }
0x10: {  	v2 =	vnsel vm0, $0x0, v0;
	v1 =	vxor.u32 $0x80000000, v1  }
0x11: {  	v2 =	vxor.u32 $0x80000000, v2;
	(xrf0) =	vmax.scan.msk.u32 $0xffff, v1;
	v1 =	vsel vm7, $0x0, v0  }
0x12: {  	(xrf0) =	vmax.scan.msk.u32 $0xffff, v2;
	v2 =	vsel vm1, $0x0, v0;
	v1 =	vxor.u32 $0x80000000, v1  }
0x13: {  	v2 =	vxor.u32 $0x80000000, v2;
	(xrf0) =	vmax.scan.msk.u32 $0xffff, v1;
	v1 =	vsel vm6, $0x0, v0  }
0x14: {  	(xrf0) =	vmax.scan.msk.u32 $0xffff, v2;
	v2 =	vsel vm2, $0x0, v0;
	v1 =	vxor.u32 $0x80000000, v1  }
0x15: {  	v2 =	vxor.u32 $0x80000000, v2;
	_ =	sdelay $0x1  }
0x16: {  	(xrf0) =	vmax.scan.msk.u32 $0xffff, v1;
	v1, _, _ =	vpop (xrf0)  }
0x17: {  	(xrf0) =	vmax.scan.msk.u32 $0xffff, v2;
	v2, _, _ =	vpop (xrf0);
	(v2sf) =	vpush v1, $0xF  }
0x18: {  	(v2sf) =	vpush v2, $0xF;
	v1, _, _ =	vpop (xrf0)  }
0x19: {  	(v2sf) =	vpush v1, $0xF;
	_ =	sdelay $0x2  }
0x1a: {  	v1 =	vsel vm4, $0x0, v0  }
0x1b: {  	v2, _, _ =	vpop (xrf0);
	v1 =	vxor.u32 $0x80000000, v1  }
0x1c: {  	v3 =	vsel vm5, $0x0, v0;
	(v2sf) =	vpush v2, $0xF;
	v2, _, _ =	vpop (xrf0);
	(xrf0) =	vmax.scan.msk.u32 $0xffff, v1  }
0x1d: {  	(v2sf) =	vpush v2, $0xF;
	v2 =	vxor.u32 $0x80000000, v3;
	v3 =	vsel vm8, $0x0, v0  }
0x1e: {  	v1 =	vsel vm9, $0x0, v0;
	v3 =	vxor.u32 $0x80000000, v3;
	(xrf0) =	vmax.scan.msk.u32 $0xffff, v2  }
0x1f: {  	v1 =	vxor.u32 $0x80000000, v1;
	v2 =	vsel vm10, $0x0, v0;
	(xrf0) =	vmax.scan.msk.u32 $0xffff, v3  }
0x20: {  	v4, _, _ =	vpop (xrf0);
	v2 =	vxor.u32 $0x80000000, v2;
	v3 =	vsel vm11, $0x0, v0;
	(xrf0) =	vmax.scan.msk.u32 $0xffff, v1  }
0x21: {  	(v2sf) =	vpush v4, $0xF;
	v3 =	vxor.u32 $0x80000000, v3;
	(xrf0) =	vmax.scan.msk.u32 $0xffff, v2  }
0x22: {  	(xrf0) =	vmax.scan.msk.u32 $0xffff, v3;
	v3 =	vsel vm14, $0x0, v0;
	v4, _, _ =	vpop (xrf0)  }
0x23: {  	v1 =	vsel vm12, $0x0, v0;
	(v2sf) =	vpush v4, $0xF  }
0x24: {  	v1 =	vxor.u32 $0x80000000, v1;
	s1 =	spop (v2sf)  }
0x25: {  	(xrf0) =	vmax.scan.msk.u32 $0xffff, v1;
	v1 =	vxor.u32 $0x80000000, v3;
	v3, _, _ =	vpop (xrf0);
	s26 =	spop (v2sf)  }
0x26: {  	s12 =	simm.s32 $0x2000;
	s11 =	simm.s32 $0x0;
	v2 =	vsel vm13, $0x0, v0;
	s29 =	spop (v2sf);
	(v2sf) =	vpush v3, $0xF  }
0x27: {  	s17 =	simm.s32 $0x200;
	s14 =	simm.s32 $0x300;
	s0 =	simm.s32 $0x100;
	v2 =	vxor.u32 $0x80000000, v2  }
0x28: {  	s20 =	simm.s32 $0x180;
	s16 =	simm.s32 $0x380;
	s18 =	simm.s32 $0x400;
	v0 =	vsel vm15, $0x0, v0;
	(xrf0) =	vmax.scan.msk.u32 $0xffff, v2  }
0x29: {  	s23 =	simm.s32 $0x280;
	s15 =	simm.s32 $0x780;
	s13 =	simm.s32 $0x10;
	v0 =	vxor.u32 $0x80000000, v0;
	v5, _, _ =	vpop (xrf0);
	(xrf0) =	vmax.scan.msk.u32 $0xffff, v1  }
0x2a: {  	s22 =	simm.s32 $0x600;
	s21 =	simm.s32 $0x680;
	s19 =	simm.s32 $0x700;
	v6, _, _ =	vpop (xrf0);
	(xrf0) =	vmax.scan.msk.u32 $0xffff, v0;
	(v2sf) =	vpush v5, $0xF  }
0x2b: {  	s25 =	simm.s32 $0x500;
	s24 =	simm.s32 $0x580;
	v7, _, _ =	vpop (xrf0);
	s26 =	sshll.u32 s26, $0x4  }
0x2c: {  	s28 =	simm.s32 $0x480;
	s1 =	sshll.u32 s1, $0x4;
	v4, _, _ =	vpop (xrf0);
	s26 =	sand.u32 $0x1FFFFFF0, s26;
	(v2sf) =	vpush v6, $0xF  }
0x2d: {  	v3, _, _ =	vpop (xrf0);
	s30 =	sand.u32 $0x1FFFFFF0, s1;
	s9 =	spop (v2sf);
	s26 =	sadd.s32 s3, s26  }
0x2e: {  	v2, _, _ =	vpop (xrf0);
	[tilespmem:s0], [sflag:$0x1] =	stream.linear.gather [hbm4b:s26+s2], $0x80, $0x38;
	[tilespmem:$0x8100] =	vst v63  }
0x2f: {  	s29 =	sshll.u32 s29, $0x4;
	v1, _, _ =	vpop (xrf0);
	s9 =	sshll.u32 s9, $0x4;
	s26 =	spop (v2sf)  }
0x30: {  	v0, _, _ =	vpop (xrf0);
	s0 =	sand.u32 $0x1FFFFFF0, s9;
	(v2sf) =	vpush v7, $0xF;
	s31 =	sshll.u32 s26, $0x4;
	s1 =	spop (v2sf)  }
.LBB2_2:
0x31: {  	s0 =	sadd.s32 s3, s0  }
0x32: {  	s1 =	sshll.u32 s1, $0x4;
	s9 =	spop (v2sf);
	(v2sf) =	vpush v4, $0xF;
	s26 =	smov.u32 s12  }
0x33: {  	[tilespmem:s20], [sflag:$0x1] =	stream.linear.gather [hbm4b:s0+s2], $0x80, $0x38;
	[tilespmem:$0x8100] =	vst v63  }
0x34: {  	s0 =	sand.u32 $0x1FFFFFF0, s1;
	s1 =	sshll.u32 s9, $0x4;
	s9 =	sand.u32 $0x1FFFFFF0, s31  }
0x35: {  	s0 =	sadd.s32 s3, s0;
	s1 =	sand.u32 $0x1FFFFFF0, s1;
	s20 =	spop (v2sf)  }
0x36: {  	[tilespmem:s17], [sflag:$0x1] =	stream.linear.gather [hbm4b:s0+s2], $0x80, $0x38;
	(v2sf) =	vpush v3, $0xF;
	[tilespmem:$0x8100] =	vst v63  }
0x37: {  	s0 =	sadd.s32 s3, s30;
	s17 =	sshll.u32 s20, $0x4;
	s20 =	sand.u32 $0x1FFFFFF0, s29  }
0x38: {  	[tilespmem:s23], [sflag:$0x1] =	stream.linear.gather [hbm4b:s0+s2], $0x80, $0x38;
	(v2sf) =	vpush v2, $0xF;
	[tilespmem:$0x8100] =	vst v63  }
0x39: {  	s0 =	sadd.s32 s3, s1;
	s1 =	sand.u32 $0x1FFFFFF0, s17;
	s17 =	spop (v2sf)  }
0x3a: {  	[tilespmem:s14], [sflag:$0x1] =	stream.linear.gather [hbm4b:s0+s2], $0x80, $0x38;
	(v2sf) =	vpush v1, $0xF;
	[tilespmem:$0x8100] =	vst v63  }
0x3b: {  	s0 =	sadd.s32 s3, s1;
	s1 =	sshll.u32 s17, $0x4;
	s14 =	spop (v2sf)  }
0x3c: {  	[tilespmem:s16], [sflag:$0x1] =	stream.linear.gather [hbm4b:s0+s2], $0x80, $0x38;
	[tilespmem:$0x8100] =	vst v63  }
0x3d: {  	s1 =	sand.u32 $0x1FFFFFF0, s1;
	s0 =	sadd.s32 s3, s9;
	s9 =	sshll.u32 s14, $0x4;
	(v2sf) =	vpush v0, $0xF  }
0x3e: {  	[tilespmem:s18], [sflag:$0x1] =	stream.linear.gather [hbm4b:s0+s2], $0x80, $0x38;
	[tilespmem:$0x8100] =	vst v63  }
0x3f: {  	s9 =	sand.u32 $0x1FFFFFF0, s9;
	s0 =	sadd.s32 s3, s20;
	s14 =	spop (v2sf)  }
0x40: {  	[tilespmem:s28], [sflag:$0x1] =	stream.linear.gather [hbm4b:s0+s2], $0x80, $0x38;
	[tilespmem:$0x8100] =	vst v63  }
0x41: {  	s0 =	sadd.s32 s3, s1;
	s1 =	sshll.u32 s14, $0x4;
	s14 =	spop (v2sf)  }
0x42: {  	[tilespmem:s25], [sflag:$0x1] =	stream.linear.gather [hbm4b:s0+s2], $0x80, $0x38;
	[tilespmem:$0x8100] =	vst v63  }
0x43: {  	s1 =	sand.u32 $0x1FFFFFF0, s1;
	s0 =	sadd.s32 s3, s9;
	s9 =	sshll.u32 s14, $0x4  }
0x44: {  	[tilespmem:s24], [sflag:$0x1] =	stream.linear.gather [hbm4b:s0+s2], $0x80, $0x38;
	[tilespmem:$0x8100] =	vst v63  }
0x45: {  	s0 =	sadd.s32 s3, s1;
	s1 =	sand.u32 $0x1FFFFFF0, s9;
	s9 =	spop (v2sf)  }
0x46: {  	[tilespmem:s22], [sflag:$0x1] =	stream.linear.gather [hbm4b:s0+s2], $0x80, $0x38;
	[tilespmem:$0x8100] =	vst v63  }
0x47: {  	s0 =	sadd.s32 s3, s1;
	s1 =	sshll.u32 s9, $0x4;
	s9 =	spop (v2sf)  }
0x48: {  	[tilespmem:s21], [sflag:$0x1] =	stream.linear.gather [hbm4b:s0+s2], $0x80, $0x38;
	[tilespmem:$0x8100] =	vst v63  }
0x49: {  	s0 =	sand.u32 $0x1FFFFFF0, s1;
	s1 =	sshll.u32 s9, $0x4;
	s9 =	spop (v2sf)  }
0x4a: {  	s0 =	sadd.s32 s3, s0;
	s1 =	sand.u32 $0x1FFFFFF0, s1;
	s9 =	sshll.u32 s9, $0x4  }
0x4b: {  	[tilespmem:s19], [sflag:$0x1] =	stream.linear.gather [hbm4b:s0+s2], $0x80, $0x38;
	[tilespmem:$0x8100] =	vst v63  }
0x4c: {  	s0 =	sadd.s32 s3, s1;
	s1 =	sand.u32 $0x1FFFFFF0, s9;
	s9 =	spop (v2sf)  }
0x4d: {  	[tilespmem:s15], [sflag:$0x1] =	stream.linear.gather [hbm4b:s0+s2], $0x80, $0x38;
	[tilespmem:$0x8100] =	vst v63  }
0x4e: {  	s1 =	sadd.s32 s3, s1;
	s0 =	sadd.s32 $0x800, s11;
	s9 =	sshll.u32 s9, $0x4  }
0x4f: {  	[tilespmem:s0], [sflag:$0x1] =	stream.linear.gather [hbm4b:s1+s2], $0x80, $0x38;
	[tilespmem:$0x8100] =	vst v63  }
0x50: {  	p0 =	sne.s32 s12, $0x1E000;
	s12 =	sadd.s32 $0x2000, s12;
	s0 =	sand.u32 $0x1FFFFFF0, s9  }
0x51: {  	s1 =	sadd.s32 $0x880, s11;
	s0 =	sadd.s32 s3, s0  }
0x52: {  	[tilespmem:s1], [sflag:$0x1] =	stream.linear.gather [hbm4b:s0+s2], $0x80, $0x38;
	[tilespmem:$0x8100] =	vst v63  }
0x53: {  	_ = 	snop  }
0x54: {  	v0 =	vld [tilespmem:s13+$0x0];
	_ =	sdelay $0x2  }
0x55: {  	s11 =	sshra.s32 s26, $0x2  }
0x56: {  	s17 =	sadd.s32 $0x200, s11  }
0x57: {  	s14 =	sadd.s32 $0x300, s11;
	v1 =	vnsel vm0, $0x0, v0;
	v2 =	vsel vm3, $0x0, v0;
	v3 =	vsel vm14, $0x0, v0  }
0x58: {  	s26 =	sadd.s32 $0x100, s11;
	s20 =	sadd.s32 $0x180, s11;
	v4 =	vsel vm6, $0x0, v0;
	v5 =	vsel vm13, $0x0, v0;
	v2 =	vxor.u32 $0x80000000, v2  }
0x59: {  	v6 =	vsel vm7, $0x0, v0;
	v1 =	vxor.u32 $0x80000000, v1;
	v3 =	vxor.u32 $0x80000000, v3;
	(xrf0) =	vmax.scan.msk.u32 $0xffff, v2  }
0x5a: {  	s16 =	sadd.s32 $0x380, s11;
	v7 =	vsel vm2, $0x0, v0;
	v6 =	vxor.u32 $0x80000000, v6;
	v2 =	vsel vm1, $0x0, v0;
	(xrf0) =	vmax.scan.msk.u32 $0xffff, v1  }
0x5b: {  	v8 =	vsel vm5, $0x0, v0;
	v1 =	vxor.u32 $0x80000000, v2;
	v2 =	vsel vm4, $0x0, v0;
	(xrf0) =	vmax.scan.msk.u32 $0xffff, v6  }
0x5c: {  	v4 =	vxor.u32 $0x80000000, v4;
	v2 =	vxor.u32 $0x80000000, v2;
	v6 =	vxor.u32 $0x80000000, v8;
	(xrf0) =	vmax.scan.msk.u32 $0xffff, v1  }
0x5d: {  	v8 =	vsel vm9, $0x0, v0;
	v1 =	vxor.u32 $0x80000000, v7;
	v7 =	vsel vm8, $0x0, v0;
	(xrf0) =	vmax.scan.msk.u32 $0xffff, v4  }
0x5e: {  	v4 =	vxor.u32 $0x80000000, v7;
	v7 =	vxor.u32 $0x80000000, v8;
	v8 =	vsel vm10, $0x0, v0;
	(xrf0) =	vmax.scan.msk.u32 $0xffff, v1  }
0x5f: {  	s18 =	sadd.s32 $0x400, s11;
	v11 =	vsel vm12, $0x0, v0;
	v1 =	vxor.u32 $0x80000000, v8;
	v8 =	vsel vm11, $0x0, v0;
	v10, _, _ =	vpop (xrf0);
	(xrf0) =	vmax.scan.msk.u32 $0xffff, v2  }
0x60: {  	s23 =	sadd.s32 $0x280, s11;
	v2 =	vxor.u32 $0x80000000, v8;
	v8 =	vxor.u32 $0x80000000, v11;
	v9, _, _ =	vpop (xrf0);
	(v2sf) =	vpush v10, $0xF;
	(xrf0) =	vmax.scan.msk.u32 $0xffff, v6  }
0x61: {  	v5 =	vxor.u32 $0x80000000, v5;
	v0 =	vsel vm15, $0x0, v0;
	(v2sf) =	vpush v9, $0xF;
	v6, _, _ =	vpop (xrf0);
	(xrf0) =	vmax.scan.msk.u32 $0xffff, v4  }
0x62: {  	v0 =	vxor.u32 $0x80000000, v0;
	v4, _, _ =	vpop (xrf0);
	(v2sf) =	vpush v6, $0xF;
	(xrf0) =	vmax.scan.msk.u32 $0xffff, v7  }
0x63: {  	(v2sf) =	vpush v4, $0xF;
	v4, _, _ =	vpop (xrf0);
	(xrf0) =	vmax.scan.msk.u32 $0xffff, v1  }
0x64: {  	v1, _, _ =	vpop (xrf0);
	(v2sf) =	vpush v4, $0xF;
	(xrf0) =	vmax.scan.msk.u32 $0xffff, v2  }
0x65: {  	(v2sf) =	vpush v1, $0xF;
	v1, _, _ =	vpop (xrf0);
	(xrf0) =	vmax.scan.msk.u32 $0xffff, v8  }
0x66: {  	v2, _, _ =	vpop (xrf0);
	(xrf0) =	vmax.scan.msk.u32 $0xffff, v5  }
0x67: {  	(v2sf) =	vpush v1, $0xF;
	v5, _, _ =	vpop (xrf0);
	(xrf0) =	vmax.scan.msk.u32 $0xffff, v3  }
0x68: {  	v6, _, _ =	vpop (xrf0);
	(xrf0) =	vmax.scan.msk.u32 $0xffff, v0  }
0x69: {  	v7, _, _ =	vpop (xrf0)  }
0x6a: {  	(v2sf) =	vpush v2, $0xF;
	v4, _, _ =	vpop (xrf0)  }
0x6b: {  	v3, _, _ =	vpop (xrf0)  }
0x6c: {  	v2, _, _ =	vpop (xrf0)  }
0x6d: {  	s15 =	sadd.s32 $0x780, s11;
	s13 =	sadd.s32 $0x10, s13;
	v1, _, _ =	vpop (xrf0)  }
0x6e: {  	s22 =	sadd.s32 $0x600, s11;
	s21 =	sadd.s32 $0x680, s11;
	s19 =	sadd.s32 $0x700, s11;
	(v2sf) =	vpush v5, $0xF;
	v0, _, _ =	vpop (xrf0)  }
0x6f: {  	s25 =	sadd.s32 $0x500, s11;
	s24 =	sadd.s32 $0x580, s11;
	s0 =	spop (v2sf)  }
0x70: {  	s1 =	spop (v2sf)  }
0x71: {  	s28 =	sadd.s32 $0x480, s11;
	s0 =	sshll.u32 s0, $0x4;
	(v2sf) =	vpush v6, $0xF;
	s1 =	sshll.u32 s1, $0x4  }
.Ltmp0:
0x72: {  	s30 =	sand.u32 $0x1FFFFFF0, s0;
	s0 =	spop (v2sf);
	(pc) =	sbr.rel @p0 .LBB2_2-.Ltmp0, $4  }
0x73: {  	s1 =	sand.u32 $0x1FFFFFF0, s1;
	s29 =	sshll.u32 s0, $0x4;
	s0 =	spop (v2sf)  }
0x74: {  	s9 =	sadd.s32 s3, s1;
	s0 =	sshll.u32 s0, $0x4;
	s1 =	spop (v2sf)  }
0x75: {  	s0 =	sand.u32 $0x1FFFFFF0, s0;
	s31 =	sshll.u32 s1, $0x4;
	s1 =	spop (v2sf);
	(v2sf) =	vpush v7, $0xF  }
0x76: {  	[tilespmem:s26], [sflag:$0x1] =	stream.linear.gather [hbm4b:s9+s2], $0x80, $0x38;
	[tilespmem:$0x8100] =	vst v63  }
0x77: {  	s0 =	sadd.s32 s3, s0;
	s1 =	sshll.u32 s1, $0x4  }
0x78: {  	[tilespmem:s20], [sflag:$0x1] =	stream.linear.gather [hbm4b:s0+s2], $0x80, $0x38;
	[tilespmem:$0x8100] =	vst v63  }
0x79: {  	s0 =	sand.u32 $0x1FFFFFF0, s1  }
0x7a: {  	s12 =	spop (v2sf);
	s0 =	sadd.s32 s3, s0  }
0x7b: {  	[tilespmem:s17], [sflag:$0x1] =	stream.linear.gather [hbm4b:s0+s2], $0x80, $0x38;
	[tilespmem:$0x8100] =	vst v63  }
0x7c: {  	s0 =	sshll.u32 s12, $0x4  }
0x7d: {  	s9 =	sadd.s32 s3, s30;
	s0 =	sand.u32 $0x1FFFFFF0, s0  }
0x7e: {  	[tilespmem:s23], [sflag:$0x1] =	stream.linear.gather [hbm4b:s9+s2], $0x80, $0x38;
	[tilespmem:$0x8100] =	vst v63  }
0x7f: {  	s13 =	spop (v2sf);
	s0 =	sadd.s32 s3, s0  }
0x80: {  	[tilespmem:s14], [sflag:$0x1] =	stream.linear.gather [hbm4b:s0+s2], $0x80, $0x38;
	[tilespmem:$0x8100] =	vst v63  }
0x81: {  	s0 =	sshll.u32 s13, $0x4  }
0x82: {  	s0 =	sand.u32 $0x1FFFFFF0, s0  }
0x83: {  	s14 =	sand.u32 $0x1FFFFFF0, s31;
	s0 =	sadd.s32 s3, s0  }
0x84: {  	(v2sf) =	vpush v4, $0xF;
	[tilespmem:s16], [sflag:$0x1] =	stream.linear.gather [hbm4b:s0+s2], $0x80, $0x38;
	[tilespmem:$0x8100] =	vst v63  }
0x85: {  	s0 =	sadd.s32 s3, s14;
	s16 =	sand.u32 $0x1FFFFFF0, s29  }
0x86: {  	[tilespmem:s18], [sflag:$0x1] =	stream.linear.gather [hbm4b:s0+s2], $0x80, $0x38;
	[tilespmem:$0x8100] =	vst v63  }
0x87: {  	s17 =	spop (v2sf);
	s0 =	sadd.s32 s3, s16  }
0x88: {  	(v2sf) =	vpush v3, $0xF;
	[tilespmem:s28], [sflag:$0x1] =	stream.linear.gather [hbm4b:s0+s2], $0x80, $0x38;
	[tilespmem:$0x8100] =	vst v63  }
0x89: {  	s0 =	sshll.u32 s17, $0x4  }
0x8a: {  	s0 =	sand.u32 $0x1FFFFFF0, s0  }
0x8b: {  	s18 =	spop (v2sf);
	s0 =	sadd.s32 s3, s0  }
0x8c: {  	(v2sf) =	vpush v2, $0xF;
	[tilespmem:s25], [sflag:$0x1] =	stream.linear.gather [hbm4b:s0+s2], $0x80, $0x38;
	[tilespmem:$0x8100] =	vst v63  }
0x8d: {  	s0 =	sshll.u32 s18, $0x4  }
0x8e: {  	s0 =	sand.u32 $0x1FFFFFF0, s0  }
0x8f: {  	s20 =	spop (v2sf);
	s0 =	sadd.s32 s3, s0  }
0x90: {  	(v2sf) =	vpush v1, $0xF;
	[tilespmem:s24], [sflag:$0x1] =	stream.linear.gather [hbm4b:s0+s2], $0x80, $0x38;
	[tilespmem:$0x8100] =	vst v63  }
0x91: {  	s0 =	sshll.u32 s20, $0x4  }
0x92: {  	s0 =	sand.u32 $0x1FFFFFF0, s0  }
0x93: {  	s23 =	spop (v2sf);
	s0 =	sadd.s32 s3, s0  }
0x94: {  	(v2sf) =	vpush v0, $0xF;
	[tilespmem:s22], [sflag:$0x1] =	stream.linear.gather [hbm4b:s0+s2], $0x80, $0x38;
	[tilespmem:$0x8100] =	vst v63  }
0x95: {  	s0 =	sshll.u32 s23, $0x4  }
0x96: {  	s0 =	sand.u32 $0x1FFFFFF0, s0  }
0x97: {  	s24 =	spop (v2sf);
	s0 =	sadd.s32 s3, s0  }
0x98: {  	[tilespmem:s21], [sflag:$0x1] =	stream.linear.gather [hbm4b:s0+s2], $0x80, $0x38;
	[tilespmem:$0x8100] =	vst v63  }
0x99: {  	s0 =	sshll.u32 s24, $0x4  }
0x9a: {  	s0 =	sand.u32 $0x1FFFFFF0, s0  }
0x9b: {  	s25 =	spop (v2sf);
	s0 =	sadd.s32 s3, s0  }
0x9c: {  	[tilespmem:s19], [sflag:$0x1] =	stream.linear.gather [hbm4b:s0+s2], $0x80, $0x38;
	[tilespmem:$0x8100] =	vst v63  }
0x9d: {  	s0 =	sshll.u32 s25, $0x4  }
0x9e: {  	s0 =	sand.u32 $0x1FFFFFF0, s0  }
0x9f: {  	s26 =	spop (v2sf);
	s0 =	sadd.s32 s3, s0  }
0xa0: {  	[tilespmem:s15], [sflag:$0x1] =	stream.linear.gather [hbm4b:s0+s2], $0x80, $0x38;
	[tilespmem:$0x8100] =	vst v63  }
0xa1: {  	s0 =	sshll.u32 s26, $0x4  }
0xa2: {  	s0 =	sand.u32 $0x1FFFFFF0, s0  }
0xa3: {  	s28 =	sadd.s32 $0x800, s11;
	s29 =	spop (v2sf);
	s0 =	sadd.s32 s3, s0  }
0xa4: {  	[tilespmem:s28], [sflag:$0x1] =	stream.linear.gather [hbm4b:s0+s2], $0x80, $0x38;
	[tilespmem:$0x8100] =	vst v63  }
0xa5: {  	s0 =	sshll.u32 s29, $0x4  }
0xa6: {  	s0 =	sand.u32 $0x1FFFFFF0, s0  }
0xa7: {  	s30 =	sadd.s32 $0x880, s11;
	s0 =	sadd.s32 s3, s0  }
0xa8: {  	[tilespmem:s30], [sflag:$0x1] =	stream.linear.gather [hbm4b:s0+s2], $0x80, $0x38;
	[tilespmem:$0x8100] =	vst v63  }
0xa9: {  	s10 =	sadd.s32 $0x1, s10;
	_ =	swait.ge [sflag:s8], $0x8000  }
0xaa: {  	p0 =	sne.s32 s10, s6;
	[sflag:s8] =	ssyncset.done $0x0  }
.Ltmp1:
0xab: {  	s31 =	simm.s32 $0x100;
	[sflag:s8] =	ssyncadd.s32 $0xFFFF8000;
	(pc) =	sbr.rel @p0 .LBB2_1-.Ltmp1, $4  }
0xac: {  	[hbm4b:s5+s2] =	stream.linear.scatter [tilespmem:s31], [sflag:$0x2], $0x8000, $0x38;
	[tilespmem:$0x8100] =	vst v63  }
0xad: {  	_ =	swait.ge [sflag:s7], $0x8000  }
0xae: {  	[sflag:s7] =	ssyncset.done $0x0  }
0xaf: {  	[sflag:s7] =	ssyncadd.s32 $0xFFFF8000  }
0xb0: {  	_ =	sfence.sel $0x180000  }
0xb1: {  	[bflag:$0x0] =	sbarrier.arrive $0xFFFF  }
0xb2: {  	_ =	strace $0x90000047  }
0xb3: {  	s0 =	stileid.u32;
	[bflag:$0x2] =	sbarrier.arrive $0xFFFF  }
0xb4: {  	p0 =	sne.s32 s0, $0x0;
	s0 =	rddreg [dreg:$0x2]  }
0xb5: {  	s0 =	sadd.s32 @!p0 $0x100000, s0  }
0xb6: {  	[sflag:s0] =	ssyncadd.tile.s32 @!p0 $0x1;
	_ =	shalt  }
.Lfunc_end2:
_tile_overlayer_lowered:
.L_overlay_start_2:
0xb7: {  	(tag) =	ssettag $0x2  }
0xb8: {  	s0 =	rddreg [dreg:$0x0];
	s2 =	stileid.u32  }
0xb9: {  	s1 =	rddreg [dreg:$0x1];
	p0 =	sne.s32 s2, $0x0  }
0xba: {  	s3 =	rddreg [dreg:$0x2];
	[bflag:$0x3] =	sbarrier.arrive $0xFFFF;
	s2 =	simm.s32 @!p0 $0x1C02  }
0xbb: {  	[timem:s3], [sflag:s2] =	dma.local @!p0 [hbm:s0], s1  }
0xbc: {  	s0 =	simm.s32 @!p0 $0x2  }
0xbd: {  	_ =	swait.ge @!p0 [sflag:s0], s1  }
0xbe: {  	s1 =	ssub.s32 @!p0 $0x0, s1;
	[sflag:s0] =	ssyncset.done @!p0 $0x0  }
0xbf: {  	[sflag:s0] =	ssyncadd.s32 @!p0 s1  }
0xc0: {  	[bflag:$0x3] =	sbarrier.arrive $0xFFFF  }
0xc1: {  	_ =	shalt  }

</sc_bundles>
